<compile_context>
chip_gen: v7x
topology: tpu7x:2x2x1
jax: 0.10.2.dev20260603
libtpu: 0.0.44.dev20260713+nightly
codegen_flags: <defaults>
</compile_context>

<pallas_src>
import functools

import jax
import jax.numpy as jnp
from jax import lax
from jax.experimental import pallas as pl
from jax.experimental.pallas import tpu as pltpu
from jax.experimental.pallas import tpu_sc as plsc

_MAX_LEN = 200
_EMBED_DIM = 64
_FLAT = _MAX_LEN * _EMBED_DIM
_BATCH = 4096
_NC = 2
_NS = 16
_NW = _NC * _NS
_B_PER_W = _BATCH // _NW
_BLK = 32
_NCOPY = _B_PER_W // _BLK


def _sc_body(pe_hbm, out_hbm, shared, sem):
    sid = lax.axis_index("s")
    wid = sid * _NC + lax.axis_index("c")
    base = wid * _B_PER_W

    @pl.when(sid == 0)
    def _():
        for r in range(_BLK):
            pltpu.sync_copy(pe_hbm, shared.at[pl.ds(r, 1)])

    plsc.subcore_barrier()

    copies = [
        pltpu.make_async_copy(
            shared, out_hbm.at[pl.ds(base + j * _BLK, _BLK), :], sem
        )
        for j in range(_NCOPY)
    ]
    for c in copies:
        c.start()
    for c in copies:
        c.wait()


_sc_broadcast = functools.partial(
    pl.kernel,
    out_type=jax.ShapeDtypeStruct((_BATCH, _FLAT), jnp.float32),
    mesh=plsc.VectorSubcoreMesh(core_axis_name="c", subcore_axis_name="s"),
    scratch_types=[
        pltpu.MemorySpace.VMEM_SHARED((_BLK, _FLAT), jnp.float32),
        pltpu.SemaphoreType.DMA,
    ],
)(_sc_body)


def kernel(x, pe_weight):
    batch = x.shape[0]
    pe_flat = pe_weight.reshape(1, _FLAT)
    out = _sc_broadcast(pe_flat)
    return out.reshape(batch, _MAX_LEN, _EMBED_DIM)

# --- scband reference (transcript-rebuilt; emitter-appended) ---
"""Pipeline reference for scband-sas-rec-positional-embedding-25804163514406 (READ-ONLY COPY).

The authoritative reference and input builder live on the scoring server;
editing this copy changes nothing except your own understanding.
"""

import jax, jax.numpy as jnp
import numpy as np

MAX_LEN = 200
EMBED_DIM = 64
BATCH = 4096

def setup_inputs(seed: int = 0) -> dict:
    key = jax.random.key(seed)
    kx, kpe = jax.random.split(key)
    x = jax.random.normal(kx, (BATCH, MAX_LEN, EMBED_DIM), dtype=jnp.float32)
    pe_weight = jax.random.normal(kpe, (MAX_LEN, EMBED_DIM), dtype=jnp.float32) * 0.02
    return {"x": x, "pe_weight": pe_weight}

def reference(x, pe_weight):
    # Faithful translation: pe.weight.unsqueeze(0).repeat(batch_size, 1, 1)
    batch_size = x.shape[0]
    out = jnp.tile(pe_weight[None, :, :], (batch_size, 1, 1))
    return out

if __name__ == "__main__":
    import jax
    _d = setup_inputs()
    print(jax.jit(kernel)(*tuple(_d.values())))

</pallas_src>

<mosaic_0001>
#map = affine_map<(d0, d1) -> (0, 0)>
module attributes {stable_mosaic.version = 14 : i64} {
  func.func @_sc_body(%arg0: i32, %arg1: i32, %arg2: memref<1x12800xf32, #tpu.memory_space<hbm>>, %arg3: memref<4096x12800xf32, #tpu.memory_space<hbm>>, %arg4: memref<32x12800xf32, #tpu.memory_space<vmem_shared>>, %arg5: memref<!tpu.dma_semaphore, #tpu.memory_space<semaphore_mem>>) attributes {dimension_semantics = [#tpu.dimension_semantics<core_parallel>, #tpu.dimension_semantics<subcore_parallel>], iteration_bounds = array<i64: 2, 16>, scalar_prefetch = 0 : i64, scratch_operands = 2 : i64, tpu.core_type = #tpu.core_type<sc_vector_subcore>, window_params = [{transform_indices = #map}, {transform_indices = #map}]} {
    %mul3A = arith.constant 2 : i32
    %mul3A_0 = arith.muli %arg1, %mul3A : i32
    %add3A = arith.addi %mul3A_0, %arg0 : i32
    %mul3A_1 = arith.constant 128 : i32
    %mul3A_2 = arith.muli %add3A, %mul3A_1 : i32
    %eq3A = arith.constant 0 : i32
    %eq3A_3 = arith.cmpi eq, %arg1, %eq3A : i32
    %convert_element_type3A = arith.extui %eq3A_3 : i1 to i32
    %cond3A = arith.constant 0 : i32
    %cond3A_4 = arith.cmpi ne, %convert_element_type3A, %cond3A : i32
    scf.if %cond3A_4 {
      "tpu.region"() ({
        %run_scoped3A = tpu.sem_alloc : memref<!tpu.dma_semaphore, #tpu.memory_space<semaphore_mem>>
        %dma_start3A_27 = arith.constant 0 : i32
        %dma_start3A_28 = arith.constant 0 : i32
        %dma_start3A_29 = tpu.memref_slice %arg4[%dma_start3A_27, %dma_start3A_28] : memref<32x12800xf32, #tpu.memory_space<vmem_shared>> -> memref<1x12800xf32, #tpu.memory_space<vmem_shared>>
        tpu.enqueue_dma source(%arg2 : memref<1x12800xf32, #tpu.memory_space<hbm>>) target(%dma_start3A_29 : memref<1x12800xf32, #tpu.memory_space<vmem_shared>>) target_semaphore(%run_scoped3A : memref<!tpu.dma_semaphore, #tpu.memory_space<semaphore_mem>>)
        %dma_wait3A_30 = arith.constant 0 : i32
        %dma_wait3A_31 = arith.constant 0 : i32
        %dma_wait3A_32 = tpu.memref_slice %arg4[%dma_wait3A_30, %dma_wait3A_31] : memref<32x12800xf32, #tpu.memory_space<vmem_shared>> -> memref<1x12800xf32, #tpu.memory_space<vmem_shared>>
        tpu.wait_dma2 semaphore(%run_scoped3A : memref<!tpu.dma_semaphore, #tpu.memory_space<semaphore_mem>>) src(%arg2 : memref<1x12800xf32, #tpu.memory_space<hbm>>) dst(%dma_wait3A_32 : memref<1x12800xf32, #tpu.memory_space<vmem_shared>>)
        tpu.yield
      }) : () -> ()
      "tpu.region"() ({
        %run_scoped3A = tpu.sem_alloc : memref<!tpu.dma_semaphore, #tpu.memory_space<semaphore_mem>>
        %dma_start3A_27 = arith.constant 1 : i32
        %dma_start3A_28 = arith.constant 0 : i32
        %dma_start3A_29 = tpu.memref_slice %arg4[%dma_start3A_27, %dma_start3A_28] : memref<32x12800xf32, #tpu.memory_space<vmem_shared>> -> memref<1x12800xf32, #tpu.memory_space<vmem_shared>>
        tpu.enqueue_dma source(%arg2 : memref<1x12800xf32, #tpu.memory_space<hbm>>) target(%dma_start3A_29 : memref<1x12800xf32, #tpu.memory_space<vmem_shared>>) target_semaphore(%run_scoped3A : memref<!tpu.dma_semaphore, #tpu.memory_space<semaphore_mem>>)
        %dma_wait3A_30 = arith.constant 1 : i32
        %dma_wait3A_31 = arith.constant 0 : i32
        %dma_wait3A_32 = tpu.memref_slice %arg4[%dma_wait3A_30, %dma_wait3A_31] : memref<32x12800xf32, #tpu.memory_space<vmem_shared>> -> memref<1x12800xf32, #tpu.memory_space<vmem_shared>>
        tpu.wait_dma2 semaphore(%run_scoped3A : memref<!tpu.dma_semaphore, #tpu.memory_space<semaphore_mem>>) src(%arg2 : memref<1x12800xf32, #tpu.memory_space<hbm>>) dst(%dma_wait3A_32 : memref<1x12800xf32, #tpu.memory_space<vmem_shared>>)
        tpu.yield
      }) : () -> ()
      "tpu.region"() ({
        %run_scoped3A = tpu.sem_alloc : memref<!tpu.dma_semaphore, #tpu.memory_space<semaphore_mem>>
        %dma_start3A_27 = arith.constant 2 : i32
        %dma_start3A_28 = arith.constant 0 : i32
        %dma_start3A_29 = tpu.memref_slice %arg4[%dma_start3A_27, %dma_start3A_28] : memref<32x12800xf32, #tpu.memory_space<vmem_shared>> -> memref<1x12800xf32, #tpu.memory_space<vmem_shared>>
        tpu.enqueue_dma source(%arg2 : memref<1x12800xf32, #tpu.memory_space<hbm>>) target(%dma_start3A_29 : memref<1x12800xf32, #tpu.memory_space<vmem_shared>>) target_semaphore(%run_scoped3A : memref<!tpu.dma_semaphore, #tpu.memory_space<semaphore_mem>>)
        %dma_wait3A_30 = arith.constant 2 : i32
        %dma_wait3A_31 = arith.constant 0 : i32
        %dma_wait3A_32 = tpu.memref_slice %arg4[%dma_wait3A_30, %dma_wait3A_31] : memref<32x12800xf32, #tpu.memory_space<vmem_shared>> -> memref<1x12800xf32, #tpu.memory_space<vmem_shared>>
        tpu.wait_dma2 semaphore(%run_scoped3A : memref<!tpu.dma_semaphore, #tpu.memory_space<semaphore_mem>>) src(%arg2 : memref<1x12800xf32, #tpu.memory_space<hbm>>) dst(%dma_wait3A_32 : memref<1x12800xf32, #tpu.memory_space<vmem_shared>>)
        tpu.yield
      }) : () -> ()
      "tpu.region"() ({
        %run_scoped3A = tpu.sem_alloc : memref<!tpu.dma_semaphore, #tpu.memory_space<semaphore_mem>>
        %dma_start3A_27 = arith.constant 3 : i32
        %dma_start3A_28 = arith.constant 0 : i32
        %dma_start3A_29 = tpu.memref_slice %arg4[%dma_start3A_27, %dma_start3A_28] : memref<32x12800xf32, #tpu.memory_space<vmem_shared>> -> memref<1x12800xf32, #tpu.memory_space<vmem_shared>>
        tpu.enqueue_dma source(%arg2 : memref<1x12800xf32, #tpu.memory_space<hbm>>) target(%dma_start3A_29 : memref<1x12800xf32, #tpu.memory_space<vmem_shared>>) target_semaphore(%run_scoped3A : memref<!tpu.dma_semaphore, #tpu.memory_space<semaphore_mem>>)
        %dma_wait3A_30 = arith.constant 3 : i32
        %dma_wait3A_31 = arith.constant 0 : i32
        %dma_wait3A_32 = tpu.memref_slice %arg4[%dma_wait3A_30, %dma_wait3A_31] : memref<32x12800xf32, #tpu.memory_space<vmem_shared>> -> memref<1x12800xf32, #tpu.memory_space<vmem_shared>>
        tpu.wait_dma2 semaphore(%run_scoped3A : memref<!tpu.dma_semaphore, #tpu.memory_space<semaphore_mem>>) src(%arg2 : memref<1x12800xf32, #tpu.memory_space<hbm>>) dst(%dma_wait3A_32 : memref<1x12800xf32, #tpu.memory_space<vmem_shared>>)
        tpu.yield
      }) : () -> ()
      "tpu.region"() ({
        %run_scoped3A = tpu.sem_alloc : memref<!tpu.dma_semaphore, #tpu.memory_space<semaphore_mem>>
        %dma_start3A_27 = arith.constant 4 : i32
        %dma_start3A_28 = arith.constant 0 : i32
        %dma_start3A_29 = tpu.memref_slice %arg4[%dma_start3A_27, %dma_start3A_28] : memref<32x12800xf32, #tpu.memory_space<vmem_shared>> -> memref<1x12800xf32, #tpu.memory_space<vmem_shared>>
        tpu.enqueue_dma source(%arg2 : memref<1x12800xf32, #tpu.memory_space<hbm>>) target(%dma_start3A_29 : memref<1x12800xf32, #tpu.memory_space<vmem_shared>>) target_semaphore(%run_scoped3A : memref<!tpu.dma_semaphore, #tpu.memory_space<semaphore_mem>>)
        %dma_wait3A_30 = arith.constant 4 : i32
        %dma_wait3A_31 = arith.constant 0 : i32
        %dma_wait3A_32 = tpu.memref_slice %arg4[%dma_wait3A_30, %dma_wait3A_31] : memref<32x12800xf32, #tpu.memory_space<vmem_shared>> -> memref<1x12800xf32, #tpu.memory_space<vmem_shared>>
        tpu.wait_dma2 semaphore(%run_scoped3A : memref<!tpu.dma_semaphore, #tpu.memory_space<semaphore_mem>>) src(%arg2 : memref<1x12800xf32, #tpu.memory_space<hbm>>) dst(%dma_wait3A_32 : memref<1x12800xf32, #tpu.memory_space<vmem_shared>>)
        tpu.yield
      }) : () -> ()
      "tpu.region"() ({
        %run_scoped3A = tpu.sem_alloc : memref<!tpu.dma_semaphore, #tpu.memory_space<semaphore_mem>>
        %dma_start3A_27 = arith.constant 5 : i32
        %dma_start3A_28 = arith.constant 0 : i32
        %dma_start3A_29 = tpu.memref_slice %arg4[%dma_start3A_27, %dma_start3A_28] : memref<32x12800xf32, #tpu.memory_space<vmem_shared>> -> memref<1x12800xf32, #tpu.memory_space<vmem_shared>>
        tpu.enqueue_dma source(%arg2 : memref<1x12800xf32, #tpu.memory_space<hbm>>) target(%dma_start3A_29 : memref<1x12800xf32, #tpu.memory_space<vmem_shared>>) target_semaphore(%run_scoped3A : memref<!tpu.dma_semaphore, #tpu.memory_space<semaphore_mem>>)
        %dma_wait3A_30 = arith.constant 5 : i32
        %dma_wait3A_31 = arith.constant 0 : i32
        %dma_wait3A_32 = tpu.memref_slice %arg4[%dma_wait3A_30, %dma_wait3A_31] : memref<32x12800xf32, #tpu.memory_space<vmem_shared>> -> memref<1x12800xf32, #tpu.memory_space<vmem_shared>>
        tpu.wait_dma2 semaphore(%run_scoped3A : memref<!tpu.dma_semaphore, #tpu.memory_space<semaphore_mem>>) src(%arg2 : memref<1x12800xf32, #tpu.memory_space<hbm>>) dst(%dma_wait3A_32 : memref<1x12800xf32, #tpu.memory_space<vmem_shared>>)
        tpu.yield
      }) : () -> ()
      "tpu.region"() ({
        %run_scoped3A = tpu.sem_alloc : memref<!tpu.dma_semaphore, #tpu.memory_space<semaphore_mem>>
        %dma_start3A_27 = arith.constant 6 : i32
        %dma_start3A_28 = arith.constant 0 : i32
        %dma_start3A_29 = tpu.memref_slice %arg4[%dma_start3A_27, %dma_start3A_28] : memref<32x12800xf32, #tpu.memory_space<vmem_shared>> -> memref<1x12800xf32, #tpu.memory_space<vmem_shared>>
        tpu.enqueue_dma source(%arg2 : memref<1x12800xf32, #tpu.memory_space<hbm>>) target(%dma_start3A_29 : memref<1x12800xf32, #tpu.memory_space<vmem_shared>>) target_semaphore(%run_scoped3A : memref<!tpu.dma_semaphore, #tpu.memory_space<semaphore_mem>>)
        %dma_wait3A_30 = arith.constant 6 : i32
        %dma_wait3A_31 = arith.constant 0 : i32
        %dma_wait3A_32 = tpu.memref_slice %arg4[%dma_wait3A_30, %dma_wait3A_31] : memref<32x12800xf32, #tpu.memory_space<vmem_shared>> -> memref<1x12800xf32, #tpu.memory_space<vmem_shared>>
        tpu.wait_dma2 semaphore(%run_scoped3A : memref<!tpu.dma_semaphore, #tpu.memory_space<semaphore_mem>>) src(%arg2 : memref<1x12800xf32, #tpu.memory_space<hbm>>) dst(%dma_wait3A_32 : memref<1x12800xf32, #tpu.memory_space<vmem_shared>>)
        tpu.yield
      }) : () -> ()
      "tpu.region"() ({
        %run_scoped3A = tpu.sem_alloc : memref<!tpu.dma_semaphore, #tpu.memory_space<semaphore_mem>>
        %dma_start3A_27 = arith.constant 7 : i32
        %dma_start3A_28 = arith.constant 0 : i32
        %dma_start3A_29 = tpu.memref_slice %arg4[%dma_start3A_27, %dma_start3A_28] : memref<32x12800xf32, #tpu.memory_space<vmem_shared>> -> memref<1x12800xf32, #tpu.memory_space<vmem_shared>>
        tpu.enqueue_dma source(%arg2 : memref<1x12800xf32, #tpu.memory_space<hbm>>) target(%dma_start3A_29 : memref<1x12800xf32, #tpu.memory_space<vmem_shared>>) target_semaphore(%run_scoped3A : memref<!tpu.dma_semaphore, #tpu.memory_space<semaphore_mem>>)
        %dma_wait3A_30 = arith.constant 7 : i32
        %dma_wait3A_31 = arith.constant 0 : i32
        %dma_wait3A_32 = tpu.memref_slice %arg4[%dma_wait3A_30, %dma_wait3A_31] : memref<32x12800xf32, #tpu.memory_space<vmem_shared>> -> memref<1x12800xf32, #tpu.memory_space<vmem_shared>>
        tpu.wait_dma2 semaphore(%run_scoped3A : memref<!tpu.dma_semaphore, #tpu.memory_space<semaphore_mem>>) src(%arg2 : memref<1x12800xf32, #tpu.memory_space<hbm>>) dst(%dma_wait3A_32 : memref<1x12800xf32, #tpu.memory_space<vmem_shared>>)
        tpu.yield
      }) : () -> ()
      "tpu.region"() ({
        %run_scoped3A = tpu.sem_alloc : memref<!tpu.dma_semaphore, #tpu.memory_space<semaphore_mem>>
        %dma_start3A_27 = arith.constant 8 : i32
        %dma_start3A_28 = arith.constant 0 : i32
        %dma_start3A_29 = tpu.memref_slice %arg4[%dma_start3A_27, %dma_start3A_28] : memref<32x12800xf32, #tpu.memory_space<vmem_shared>> -> memref<1x12800xf32, #tpu.memory_space<vmem_shared>>
        tpu.enqueue_dma source(%arg2 : memref<1x12800xf32, #tpu.memory_space<hbm>>) target(%dma_start3A_29 : memref<1x12800xf32, #tpu.memory_space<vmem_shared>>) target_semaphore(%run_scoped3A : memref<!tpu.dma_semaphore, #tpu.memory_space<semaphore_mem>>)
        %dma_wait3A_30 = arith.constant 8 : i32
        %dma_wait3A_31 = arith.constant 0 : i32
        %dma_wait3A_32 = tpu.memref_slice %arg4[%dma_wait3A_30, %dma_wait3A_31] : memref<32x12800xf32, #tpu.memory_space<vmem_shared>> -> memref<1x12800xf32, #tpu.memory_space<vmem_shared>>
        tpu.wait_dma2 semaphore(%run_scoped3A : memref<!tpu.dma_semaphore, #tpu.memory_space<semaphore_mem>>) src(%arg2 : memref<1x12800xf32, #tpu.memory_space<hbm>>) dst(%dma_wait3A_32 : memref<1x12800xf32, #tpu.memory_space<vmem_shared>>)
        tpu.yield
      }) : () -> ()
      "tpu.region"() ({
        %run_scoped3A = tpu.sem_alloc : memref<!tpu.dma_semaphore, #tpu.memory_space<semaphore_mem>>
        %dma_start3A_27 = arith.constant 9 : i32
        %dma_start3A_28 = arith.constant 0 : i32
        %dma_start3A_29 = tpu.memref_slice %arg4[%dma_start3A_27, %dma_start3A_28] : memref<32x12800xf32, #tpu.memory_space<vmem_shared>> -> memref<1x12800xf32, #tpu.memory_space<vmem_shared>>
        tpu.enqueue_dma source(%arg2 : memref<1x12800xf32, #tpu.memory_space<hbm>>) target(%dma_start3A_29 : memref<1x12800xf32, #tpu.memory_space<vmem_shared>>) target_semaphore(%run_scoped3A : memref<!tpu.dma_semaphore, #tpu.memory_space<semaphore_mem>>)
        %dma_wait3A_30 = arith.constant 9 : i32
        %dma_wait3A_31 = arith.constant 0 : i32
        %dma_wait3A_32 = tpu.memref_slice %arg4[%dma_wait3A_30, %dma_wait3A_31] : memref<32x12800xf32, #tpu.memory_space<vmem_shared>> -> memref<1x12800xf32, #tpu.memory_space<vmem_shared>>
        tpu.wait_dma2 semaphore(%run_scoped3A : memref<!tpu.dma_semaphore, #tpu.memory_space<semaphore_mem>>) src(%arg2 : memref<1x12800xf32, #tpu.memory_space<hbm>>) dst(%dma_wait3A_32 : memref<1x12800xf32, #tpu.memory_space<vmem_shared>>)
        tpu.yield
      }) : () -> ()
      "tpu.region"() ({
        %run_scoped3A = tpu.sem_alloc : memref<!tpu.dma_semaphore, #tpu.memory_space<semaphore_mem>>
        %dma_start3A_27 = arith.constant 10 : i32
        %dma_start3A_28 = arith.constant 0 : i32
        %dma_start3A_29 = tpu.memref_slice %arg4[%dma_start3A_27, %dma_start3A_28] : memref<32x12800xf32, #tpu.memory_space<vmem_shared>> -> memref<1x12800xf32, #tpu.memory_space<vmem_shared>>
        tpu.enqueue_dma source(%arg2 : memref<1x12800xf32, #tpu.memory_space<hbm>>) target(%dma_start3A_29 : memref<1x12800xf32, #tpu.memory_space<vmem_shared>>) target_semaphore(%run_scoped3A : memref<!tpu.dma_semaphore, #tpu.memory_space<semaphore_mem>>)
        %dma_wait3A_30 = arith.constant 10 : i32
        %dma_wait3A_31 = arith.constant 0 : i32
        %dma_wait3A_32 = tpu.memref_slice %arg4[%dma_wait3A_30, %dma_wait3A_31] : memref<32x12800xf32, #tpu.memory_space<vmem_shared>> -> memref<1x12800xf32, #tpu.memory_space<vmem_shared>>
        tpu.wait_dma2 semaphore(%run_scoped3A : memref<!tpu.dma_semaphore, #tpu.memory_space<semaphore_mem>>) src(%arg2 : memref<1x12800xf32, #tpu.memory_space<hbm>>) dst(%dma_wait3A_32 : memref<1x12800xf32, #tpu.memory_space<vmem_shared>>)
        tpu.yield
      }) : () -> ()
      "tpu.region"() ({
        %run_scoped3A = tpu.sem_alloc : memref<!tpu.dma_semaphore, #tpu.memory_space<semaphore_mem>>
        %dma_start3A_27 = arith.constant 11 : i32
        %dma_start3A_28 = arith.constant 0 : i32
        %dma_start3A_29 = tpu.memref_slice %arg4[%dma_start3A_27, %dma_start3A_28] : memref<32x12800xf32, #tpu.memory_space<vmem_shared>> -> memref<1x12800xf32, #tpu.memory_space<vmem_shared>>
        tpu.enqueue_dma source(%arg2 : memref<1x12800xf32, #tpu.memory_space<hbm>>) target(%dma_start3A_29 : memref<1x12800xf32, #tpu.memory_space<vmem_shared>>) target_semaphore(%run_scoped3A : memref<!tpu.dma_semaphore, #tpu.memory_space<semaphore_mem>>)
        %dma_wait3A_30 = arith.constant 11 : i32
        %dma_wait3A_31 = arith.constant 0 : i32
        %dma_wait3A_32 = tpu.memref_slice %arg4[%dma_wait3A_30, %dma_wait3A_31] : memref<32x12800xf32, #tpu.memory_space<vmem_shared>> -> memref<1x12800xf32, #tpu.memory_space<vmem_shared>>
        tpu.wait_dma2 semaphore(%run_scoped3A : memref<!tpu.dma_semaphore, #tpu.memory_space<semaphore_mem>>) src(%arg2 : memref<1x12800xf32, #tpu.memory_space<hbm>>) dst(%dma_wait3A_32 : memref<1x12800xf32, #tpu.memory_space<vmem_shared>>)
        tpu.yield
      }) : () -> ()
      "tpu.region"() ({
        %run_scoped3A = tpu.sem_alloc : memref<!tpu.dma_semaphore, #tpu.memory_space<semaphore_mem>>
        %dma_start3A_27 = arith.constant 12 : i32
        %dma_start3A_28 = arith.constant 0 : i32
        %dma_start3A_29 = tpu.memref_slice %arg4[%dma_start3A_27, %dma_start3A_28] : memref<32x12800xf32, #tpu.memory_space<vmem_shared>> -> memref<1x12800xf32, #tpu.memory_space<vmem_shared>>
        tpu.enqueue_dma source(%arg2 : memref<1x12800xf32, #tpu.memory_space<hbm>>) target(%dma_start3A_29 : memref<1x12800xf32, #tpu.memory_space<vmem_shared>>) target_semaphore(%run_scoped3A : memref<!tpu.dma_semaphore, #tpu.memory_space<semaphore_mem>>)
        %dma_wait3A_30 = arith.constant 12 : i32
        %dma_wait3A_31 = arith.constant 0 : i32
        %dma_wait3A_32 = tpu.memref_slice %arg4[%dma_wait3A_30, %dma_wait3A_31] : memref<32x12800xf32, #tpu.memory_space<vmem_shared>> -> memref<1x12800xf32, #tpu.memory_space<vmem_shared>>
        tpu.wait_dma2 semaphore(%run_scoped3A : memref<!tpu.dma_semaphore, #tpu.memory_space<semaphore_mem>>) src(%arg2 : memref<1x12800xf32, #tpu.memory_space<hbm>>) dst(%dma_wait3A_32 : memref<1x12800xf32, #tpu.memory_space<vmem_shared>>)
        tpu.yield
      }) : () -> ()
      "tpu.region"() ({
        %run_scoped3A = tpu.sem_alloc : memref<!tpu.dma_semaphore, #tpu.memory_space<semaphore_mem>>
        %dma_start3A_27 = arith.constant 13 : i32
        %dma_start3A_28 = arith.constant 0 : i32
        %dma_start3A_29 = tpu.memref_slice %arg4[%dma_start3A_27, %dma_start3A_28] : memref<32x12800xf32, #tpu.memory_space<vmem_shared>> -> memref<1x12800xf32, #tpu.memory_space<vmem_shared>>
        tpu.enqueue_dma source(%arg2 : memref<1x12800xf32, #tpu.memory_space<hbm>>) target(%dma_start3A_29 : memref<1x12800xf32, #tpu.memory_space<vmem_shared>>) target_semaphore(%run_scoped3A : memref<!tpu.dma_semaphore, #tpu.memory_space<semaphore_mem>>)
        %dma_wait3A_30 = arith.constant 13 : i32
        %dma_wait3A_31 = arith.constant 0 : i32
        %dma_wait3A_32 = tpu.memref_slice %arg4[%dma_wait3A_30, %dma_wait3A_31] : memref<32x12800xf32, #tpu.memory_space<vmem_shared>> -> memref<1x12800xf32, #tpu.memory_space<vmem_shared>>
        tpu.wait_dma2 semaphore(%run_scoped3A : memref<!tpu.dma_semaphore, #tpu.memory_space<semaphore_mem>>) src(%arg2 : memref<1x12800xf32, #tpu.memory_space<hbm>>) dst(%dma_wait3A_32 : memref<1x12800xf32, #tpu.memory_space<vmem_shared>>)
        tpu.yield
      }) : () -> ()
      "tpu.region"() ({
        %run_scoped3A = tpu.sem_alloc : memref<!tpu.dma_semaphore, #tpu.memory_space<semaphore_mem>>
        %dma_start3A_27 = arith.constant 14 : i32
        %dma_start3A_28 = arith.constant 0 : i32
        %dma_start3A_29 = tpu.memref_slice %arg4[%dma_start3A_27, %dma_start3A_28] : memref<32x12800xf32, #tpu.memory_space<vmem_shared>> -> memref<1x12800xf32, #tpu.memory_space<vmem_shared>>
        tpu.enqueue_dma source(%arg2 : memref<1x12800xf32, #tpu.memory_space<hbm>>) target(%dma_start3A_29 : memref<1x12800xf32, #tpu.memory_space<vmem_shared>>) target_semaphore(%run_scoped3A : memref<!tpu.dma_semaphore, #tpu.memory_space<semaphore_mem>>)
        %dma_wait3A_30 = arith.constant 14 : i32
        %dma_wait3A_31 = arith.constant 0 : i32
        %dma_wait3A_32 = tpu.memref_slice %arg4[%dma_wait3A_30, %dma_wait3A_31] : memref<32x12800xf32, #tpu.memory_space<vmem_shared>> -> memref<1x12800xf32, #tpu.memory_space<vmem_shared>>
        tpu.wait_dma2 semaphore(%run_scoped3A : memref<!tpu.dma_semaphore, #tpu.memory_space<semaphore_mem>>) src(%arg2 : memref<1x12800xf32, #tpu.memory_space<hbm>>) dst(%dma_wait3A_32 : memref<1x12800xf32, #tpu.memory_space<vmem_shared>>)
        tpu.yield
      }) : () -> ()
      "tpu.region"() ({
        %run_scoped3A = tpu.sem_alloc : memref<!tpu.dma_semaphore, #tpu.memory_space<semaphore_mem>>
        %dma_start3A_27 = arith.constant 15 : i32
        %dma_start3A_28 = arith.constant 0 : i32
        %dma_start3A_29 = tpu.memref_slice %arg4[%dma_start3A_27, %dma_start3A_28] : memref<32x12800xf32, #tpu.memory_space<vmem_shared>> -> memref<1x12800xf32, #tpu.memory_space<vmem_shared>>
        tpu.enqueue_dma source(%arg2 : memref<1x12800xf32, #tpu.memory_space<hbm>>) target(%dma_start3A_29 : memref<1x12800xf32, #tpu.memory_space<vmem_shared>>) target_semaphore(%run_scoped3A : memref<!tpu.dma_semaphore, #tpu.memory_space<semaphore_mem>>)
        %dma_wait3A_30 = arith.constant 15 : i32
        %dma_wait3A_31 = arith.constant 0 : i32
        %dma_wait3A_32 = tpu.memref_slice %arg4[%dma_wait3A_30, %dma_wait3A_31] : memref<32x12800xf32, #tpu.memory_space<vmem_shared>> -> memref<1x12800xf32, #tpu.memory_space<vmem_shared>>
        tpu.wait_dma2 semaphore(%run_scoped3A : memref<!tpu.dma_semaphore, #tpu.memory_space<semaphore_mem>>) src(%arg2 : memref<1x12800xf32, #tpu.memory_space<hbm>>) dst(%dma_wait3A_32 : memref<1x12800xf32, #tpu.memory_space<vmem_shared>>)
        tpu.yield
      }) : () -> ()
      "tpu.region"() ({
        %run_scoped3A = tpu.sem_alloc : memref<!tpu.dma_semaphore, #tpu.memory_space<semaphore_mem>>
        %dma_start3A_27 = arith.constant 16 : i32
        %dma_start3A_28 = arith.constant 0 : i32
        %dma_start3A_29 = tpu.memref_slice %arg4[%dma_start3A_27, %dma_start3A_28] : memref<32x12800xf32, #tpu.memory_space<vmem_shared>> -> memref<1x12800xf32, #tpu.memory_space<vmem_shared>>
        tpu.enqueue_dma source(%arg2 : memref<1x12800xf32, #tpu.memory_space<hbm>>) target(%dma_start3A_29 : memref<1x12800xf32, #tpu.memory_space<vmem_shared>>) target_semaphore(%run_scoped3A : memref<!tpu.dma_semaphore, #tpu.memory_space<semaphore_mem>>)
        %dma_wait3A_30 = arith.constant 16 : i32
        %dma_wait3A_31 = arith.constant 0 : i32
        %dma_wait3A_32 = tpu.memref_slice %arg4[%dma_wait3A_30, %dma_wait3A_31] : memref<32x12800xf32, #tpu.memory_space<vmem_shared>> -> memref<1x12800xf32, #tpu.memory_space<vmem_shared>>
        tpu.wait_dma2 semaphore(%run_scoped3A : memref<!tpu.dma_semaphore, #tpu.memory_space<semaphore_mem>>) src(%arg2 : memref<1x12800xf32, #tpu.memory_space<hbm>>) dst(%dma_wait3A_32 : memref<1x12800xf32, #tpu.memory_space<vmem_shared>>)
        tpu.yield
      }) : () -> ()
      "tpu.region"() ({
        %run_scoped3A = tpu.sem_alloc : memref<!tpu.dma_semaphore, #tpu.memory_space<semaphore_mem>>
        %dma_start3A_27 = arith.constant 17 : i32
        %dma_start3A_28 = arith.constant 0 : i32
        %dma_start3A_29 = tpu.memref_slice %arg4[%dma_start3A_27, %dma_start3A_28] : memref<32x12800xf32, #tpu.memory_space<vmem_shared>> -> memref<1x12800xf32, #tpu.memory_space<vmem_shared>>
        tpu.enqueue_dma source(%arg2 : memref<1x12800xf32, #tpu.memory_space<hbm>>) target(%dma_start3A_29 : memref<1x12800xf32, #tpu.memory_space<vmem_shared>>) target_semaphore(%run_scoped3A : memref<!tpu.dma_semaphore, #tpu.memory_space<semaphore_mem>>)
        %dma_wait3A_30 = arith.constant 17 : i32
        %dma_wait3A_31 = arith.constant 0 : i32
        %dma_wait3A_32 = tpu.memref_slice %arg4[%dma_wait3A_30, %dma_wait3A_31] : memref<32x12800xf32, #tpu.memory_space<vmem_shared>> -> memref<1x12800xf32, #tpu.memory_space<vmem_shared>>
        tpu.wait_dma2 semaphore(%run_scoped3A : memref<!tpu.dma_semaphore, #tpu.memory_space<semaphore_mem>>) src(%arg2 : memref<1x12800xf32, #tpu.memory_space<hbm>>) dst(%dma_wait3A_32 : memref<1x12800xf32, #tpu.memory_space<vmem_shared>>)
        tpu.yield
      }) : () -> ()
      "tpu.region"() ({
        %run_scoped3A = tpu.sem_alloc : memref<!tpu.dma_semaphore, #tpu.memory_space<semaphore_mem>>
        %dma_start3A_27 = arith.constant 18 : i32
        %dma_start3A_28 = arith.constant 0 : i32
        %dma_start3A_29 = tpu.memref_slice %arg4[%dma_start3A_27, %dma_start3A_28] : memref<32x12800xf32, #tpu.memory_space<vmem_shared>> -> memref<1x12800xf32, #tpu.memory_space<vmem_shared>>
        tpu.enqueue_dma source(%arg2 : memref<1x12800xf32, #tpu.memory_space<hbm>>) target(%dma_start3A_29 : memref<1x12800xf32, #tpu.memory_space<vmem_shared>>) target_semaphore(%run_scoped3A : memref<!tpu.dma_semaphore, #tpu.memory_space<semaphore_mem>>)
        %dma_wait3A_30 = arith.constant 18 : i32
        %dma_wait3A_31 = arith.constant 0 : i32
        %dma_wait3A_32 = tpu.memref_slice %arg4[%dma_wait3A_30, %dma_wait3A_31] : memref<32x12800xf32, #tpu.memory_space<vmem_shared>> -> memref<1x12800xf32, #tpu.memory_space<vmem_shared>>
        tpu.wait_dma2 semaphore(%run_scoped3A : memref<!tpu.dma_semaphore, #tpu.memory_space<semaphore_mem>>) src(%arg2 : memref<1x12800xf32, #tpu.memory_space<hbm>>) dst(%dma_wait3A_32 : memref<1x12800xf32, #tpu.memory_space<vmem_shared>>)
        tpu.yield
      }) : () -> ()
      "tpu.region"() ({
        %run_scoped3A = tpu.sem_alloc : memref<!tpu.dma_semaphore, #tpu.memory_space<semaphore_mem>>
        %dma_start3A_27 = arith.constant 19 : i32
        %dma_start3A_28 = arith.constant 0 : i32
        %dma_start3A_29 = tpu.memref_slice %arg4[%dma_start3A_27, %dma_start3A_28] : memref<32x12800xf32, #tpu.memory_space<vmem_shared>> -> memref<1x12800xf32, #tpu.memory_space<vmem_shared>>
        tpu.enqueue_dma source(%arg2 : memref<1x12800xf32, #tpu.memory_space<hbm>>) target(%dma_start3A_29 : memref<1x12800xf32, #tpu.memory_space<vmem_shared>>) target_semaphore(%run_scoped3A : memref<!tpu.dma_semaphore, #tpu.memory_space<semaphore_mem>>)
        %dma_wait3A_30 = arith.constant 19 : i32
        %dma_wait3A_31 = arith.constant 0 : i32
        %dma_wait3A_32 = tpu.memref_slice %arg4[%dma_wait3A_30, %dma_wait3A_31] : memref<32x12800xf32, #tpu.memory_space<vmem_shared>> -> memref<1x12800xf32, #tpu.memory_space<vmem_shared>>
        tpu.wait_dma2 semaphore(%run_scoped3A : memref<!tpu.dma_semaphore, #tpu.memory_space<semaphore_mem>>) src(%arg2 : memref<1x12800xf32, #tpu.memory_space<hbm>>) dst(%dma_wait3A_32 : memref<1x12800xf32, #tpu.memory_space<vmem_shared>>)
        tpu.yield
      }) : () -> ()
      "tpu.region"() ({
        %run_scoped3A = tpu.sem_alloc : memref<!tpu.dma_semaphore, #tpu.memory_space<semaphore_mem>>
        %dma_start3A_27 = arith.constant 20 : i32
        %dma_start3A_28 = arith.constant 0 : i32
        %dma_start3A_29 = tpu.memref_slice %arg4[%dma_start3A_27, %dma_start3A_28] : memref<32x12800xf32, #tpu.memory_space<vmem_shared>> -> memref<1x12800xf32, #tpu.memory_space<vmem_shared>>
        tpu.enqueue_dma source(%arg2 : memref<1x12800xf32, #tpu.memory_space<hbm>>) target(%dma_start3A_29 : memref<1x12800xf32, #tpu.memory_space<vmem_shared>>) target_semaphore(%run_scoped3A : memref<!tpu.dma_semaphore, #tpu.memory_space<semaphore_mem>>)
        %dma_wait3A_30 = arith.constant 20 : i32
        %dma_wait3A_31 = arith.constant 0 : i32
        %dma_wait3A_32 = tpu.memref_slice %arg4[%dma_wait3A_30, %dma_wait3A_31] : memref<32x12800xf32, #tpu.memory_space<vmem_shared>> -> memref<1x12800xf32, #tpu.memory_space<vmem_shared>>
        tpu.wait_dma2 semaphore(%run_scoped3A : memref<!tpu.dma_semaphore, #tpu.memory_space<semaphore_mem>>) src(%arg2 : memref<1x12800xf32, #tpu.memory_space<hbm>>) dst(%dma_wait3A_32 : memref<1x12800xf32, #tpu.memory_space<vmem_shared>>)
        tpu.yield
      }) : () -> ()
      "tpu.region"() ({
        %run_scoped3A = tpu.sem_alloc : memref<!tpu.dma_semaphore, #tpu.memory_space<semaphore_mem>>
        %dma_start3A_27 = arith.constant 21 : i32
        %dma_start3A_28 = arith.constant 0 : i32
        %dma_start3A_29 = tpu.memref_slice %arg4[%dma_start3A_27, %dma_start3A_28] : memref<32x12800xf32, #tpu.memory_space<vmem_shared>> -> memref<1x12800xf32, #tpu.memory_space<vmem_shared>>
        tpu.enqueue_dma source(%arg2 : memref<1x12800xf32, #tpu.memory_space<hbm>>) target(%dma_start3A_29 : memref<1x12800xf32, #tpu.memory_space<vmem_shared>>) target_semaphore(%run_scoped3A : memref<!tpu.dma_semaphore, #tpu.memory_space<semaphore_mem>>)
        %dma_wait3A_30 = arith.constant 21 : i32
        %dma_wait3A_31 = arith.constant 0 : i32
        %dma_wait3A_32 = tpu.memref_slice %arg4[%dma_wait3A_30, %dma_wait3A_31] : memref<32x12800xf32, #tpu.memory_space<vmem_shared>> -> memref<1x12800xf32, #tpu.memory_space<vmem_shared>>
        tpu.wait_dma2 semaphore(%run_scoped3A : memref<!tpu.dma_semaphore, #tpu.memory_space<semaphore_mem>>) src(%arg2 : memref<1x12800xf32, #tpu.memory_space<hbm>>) dst(%dma_wait3A_32 : memref<1x12800xf32, #tpu.memory_space<vmem_shared>>)
        tpu.yield
      }) : () -> ()
      "tpu.region"() ({
        %run_scoped3A = tpu.sem_alloc : memref<!tpu.dma_semaphore, #tpu.memory_space<semaphore_mem>>
        %dma_start3A_27 = arith.constant 22 : i32
        %dma_start3A_28 = arith.constant 0 : i32
        %dma_start3A_29 = tpu.memref_slice %arg4[%dma_start3A_27, %dma_start3A_28] : memref<32x12800xf32, #tpu.memory_space<vmem_shared>> -> memref<1x12800xf32, #tpu.memory_space<vmem_shared>>
        tpu.enqueue_dma source(%arg2 : memref<1x12800xf32, #tpu.memory_space<hbm>>) target(%dma_start3A_29 : memref<1x12800xf32, #tpu.memory_space<vmem_shared>>) target_semaphore(%run_scoped3A : memref<!tpu.dma_semaphore, #tpu.memory_space<semaphore_mem>>)
        %dma_wait3A_30 = arith.constant 22 : i32
        %dma_wait3A_31 = arith.constant 0 : i32
        %dma_wait3A_32 = tpu.memref_slice %arg4[%dma_wait3A_30, %dma_wait3A_31] : memref<32x12800xf32, #tpu.memory_space<vmem_shared>> -> memref<1x12800xf32, #tpu.memory_space<vmem_shared>>
        tpu.wait_dma2 semaphore(%run_scoped3A : memref<!tpu.dma_semaphore, #tpu.memory_space<semaphore_mem>>) src(%arg2 : memref<1x12800xf32, #tpu.memory_space<hbm>>) dst(%dma_wait3A_32 : memref<1x12800xf32, #tpu.memory_space<vmem_shared>>)
        tpu.yield
      }) : () -> ()
      "tpu.region"() ({
        %run_scoped3A = tpu.sem_alloc : memref<!tpu.dma_semaphore, #tpu.memory_space<semaphore_mem>>
        %dma_start3A_27 = arith.constant 23 : i32
        %dma_start3A_28 = arith.constant 0 : i32
        %dma_start3A_29 = tpu.memref_slice %arg4[%dma_start3A_27, %dma_start3A_28] : memref<32x12800xf32, #tpu.memory_space<vmem_shared>> -> memref<1x12800xf32, #tpu.memory_space<vmem_shared>>
        tpu.enqueue_dma source(%arg2 : memref<1x12800xf32, #tpu.memory_space<hbm>>) target(%dma_start3A_29 : memref<1x12800xf32, #tpu.memory_space<vmem_shared>>) target_semaphore(%run_scoped3A : memref<!tpu.dma_semaphore, #tpu.memory_space<semaphore_mem>>)
        %dma_wait3A_30 = arith.constant 23 : i32
        %dma_wait3A_31 = arith.constant 0 : i32
        %dma_wait3A_32 = tpu.memref_slice %arg4[%dma_wait3A_30, %dma_wait3A_31] : memref<32x12800xf32, #tpu.memory_space<vmem_shared>> -> memref<1x12800xf32, #tpu.memory_space<vmem_shared>>
        tpu.wait_dma2 semaphore(%run_scoped3A : memref<!tpu.dma_semaphore, #tpu.memory_space<semaphore_mem>>) src(%arg2 : memref<1x12800xf32, #tpu.memory_space<hbm>>) dst(%dma_wait3A_32 : memref<1x12800xf32, #tpu.memory_space<vmem_shared>>)
        tpu.yield
      }) : () -> ()
      "tpu.region"() ({
        %run_scoped3A = tpu.sem_alloc : memref<!tpu.dma_semaphore, #tpu.memory_space<semaphore_mem>>
        %dma_start3A_27 = arith.constant 24 : i32
        %dma_start3A_28 = arith.constant 0 : i32
        %dma_start3A_29 = tpu.memref_slice %arg4[%dma_start3A_27, %dma_start3A_28] : memref<32x12800xf32, #tpu.memory_space<vmem_shared>> -> memref<1x12800xf32, #tpu.memory_space<vmem_shared>>
        tpu.enqueue_dma source(%arg2 : memref<1x12800xf32, #tpu.memory_space<hbm>>) target(%dma_start3A_29 : memref<1x12800xf32, #tpu.memory_space<vmem_shared>>) target_semaphore(%run_scoped3A : memref<!tpu.dma_semaphore, #tpu.memory_space<semaphore_mem>>)
        %dma_wait3A_30 = arith.constant 24 : i32
        %dma_wait3A_31 = arith.constant 0 : i32
        %dma_wait3A_32 = tpu.memref_slice %arg4[%dma_wait3A_30, %dma_wait3A_31] : memref<32x12800xf32, #tpu.memory_space<vmem_shared>> -> memref<1x12800xf32, #tpu.memory_space<vmem_shared>>
        tpu.wait_dma2 semaphore(%run_scoped3A : memref<!tpu.dma_semaphore, #tpu.memory_space<semaphore_mem>>) src(%arg2 : memref<1x12800xf32, #tpu.memory_space<hbm>>) dst(%dma_wait3A_32 : memref<1x12800xf32, #tpu.memory_space<vmem_shared>>)
        tpu.yield
      }) : () -> ()
      "tpu.region"() ({
        %run_scoped3A = tpu.sem_alloc : memref<!tpu.dma_semaphore, #tpu.memory_space<semaphore_mem>>
        %dma_start3A_27 = arith.constant 25 : i32
        %dma_start3A_28 = arith.constant 0 : i32
        %dma_start3A_29 = tpu.memref_slice %arg4[%dma_start3A_27, %dma_start3A_28] : memref<32x12800xf32, #tpu.memory_space<vmem_shared>> -> memref<1x12800xf32, #tpu.memory_space<vmem_shared>>
        tpu.enqueue_dma source(%arg2 : memref<1x12800xf32, #tpu.memory_space<hbm>>) target(%dma_start3A_29 : memref<1x12800xf32, #tpu.memory_space<vmem_shared>>) target_semaphore(%run_scoped3A : memref<!tpu.dma_semaphore, #tpu.memory_space<semaphore_mem>>)
        %dma_wait3A_30 = arith.constant 25 : i32
        %dma_wait3A_31 = arith.constant 0 : i32
        %dma_wait3A_32 = tpu.memref_slice %arg4[%dma_wait3A_30, %dma_wait3A_31] : memref<32x12800xf32, #tpu.memory_space<vmem_shared>> -> memref<1x12800xf32, #tpu.memory_space<vmem_shared>>
        tpu.wait_dma2 semaphore(%run_scoped3A : memref<!tpu.dma_semaphore, #tpu.memory_space<semaphore_mem>>) src(%arg2 : memref<1x12800xf32, #tpu.memory_space<hbm>>) dst(%dma_wait3A_32 : memref<1x12800xf32, #tpu.memory_space<vmem_shared>>)
        tpu.yield
      }) : () -> ()
      "tpu.region"() ({
        %run_scoped3A = tpu.sem_alloc : memref<!tpu.dma_semaphore, #tpu.memory_space<semaphore_mem>>
        %dma_start3A_27 = arith.constant 26 : i32
        %dma_start3A_28 = arith.constant 0 : i32
        %dma_start3A_29 = tpu.memref_slice %arg4[%dma_start3A_27, %dma_start3A_28] : memref<32x12800xf32, #tpu.memory_space<vmem_shared>> -> memref<1x12800xf32, #tpu.memory_space<vmem_shared>>
        tpu.enqueue_dma source(%arg2 : memref<1x12800xf32, #tpu.memory_space<hbm>>) target(%dma_start3A_29 : memref<1x12800xf32, #tpu.memory_space<vmem_shared>>) target_semaphore(%run_scoped3A : memref<!tpu.dma_semaphore, #tpu.memory_space<semaphore_mem>>)
        %dma_wait3A_30 = arith.constant 26 : i32
        %dma_wait3A_31 = arith.constant 0 : i32
        %dma_wait3A_32 = tpu.memref_slice %arg4[%dma_wait3A_30, %dma_wait3A_31] : memref<32x12800xf32, #tpu.memory_space<vmem_shared>> -> memref<1x12800xf32, #tpu.memory_space<vmem_shared>>
        tpu.wait_dma2 semaphore(%run_scoped3A : memref<!tpu.dma_semaphore, #tpu.memory_space<semaphore_mem>>) src(%arg2 : memref<1x12800xf32, #tpu.memory_space<hbm>>) dst(%dma_wait3A_32 : memref<1x12800xf32, #tpu.memory_space<vmem_shared>>)
        tpu.yield
      }) : () -> ()
      "tpu.region"() ({
        %run_scoped3A = tpu.sem_alloc : memref<!tpu.dma_semaphore, #tpu.memory_space<semaphore_mem>>
        %dma_start3A_27 = arith.constant 27 : i32
        %dma_start3A_28 = arith.constant 0 : i32
        %dma_start3A_29 = tpu.memref_slice %arg4[%dma_start3A_27, %dma_start3A_28] : memref<32x12800xf32, #tpu.memory_space<vmem_shared>> -> memref<1x12800xf32, #tpu.memory_space<vmem_shared>>
        tpu.enqueue_dma source(%arg2 : memref<1x12800xf32, #tpu.memory_space<hbm>>) target(%dma_start3A_29 : memref<1x12800xf32, #tpu.memory_space<vmem_shared>>) target_semaphore(%run_scoped3A : memref<!tpu.dma_semaphore, #tpu.memory_space<semaphore_mem>>)
        %dma_wait3A_30 = arith.constant 27 : i32
        %dma_wait3A_31 = arith.constant 0 : i32
        %dma_wait3A_32 = tpu.memref_slice %arg4[%dma_wait3A_30, %dma_wait3A_31] : memref<32x12800xf32, #tpu.memory_space<vmem_shared>> -> memref<1x12800xf32, #tpu.memory_space<vmem_shared>>
        tpu.wait_dma2 semaphore(%run_scoped3A : memref<!tpu.dma_semaphore, #tpu.memory_space<semaphore_mem>>) src(%arg2 : memref<1x12800xf32, #tpu.memory_space<hbm>>) dst(%dma_wait3A_32 : memref<1x12800xf32, #tpu.memory_space<vmem_shared>>)
        tpu.yield
      }) : () -> ()
      "tpu.region"() ({
        %run_scoped3A = tpu.sem_alloc : memref<!tpu.dma_semaphore, #tpu.memory_space<semaphore_mem>>
        %dma_start3A_27 = arith.constant 28 : i32
        %dma_start3A_28 = arith.constant 0 : i32
        %dma_start3A_29 = tpu.memref_slice %arg4[%dma_start3A_27, %dma_start3A_28] : memref<32x12800xf32, #tpu.memory_space<vmem_shared>> -> memref<1x12800xf32, #tpu.memory_space<vmem_shared>>
        tpu.enqueue_dma source(%arg2 : memref<1x12800xf32, #tpu.memory_space<hbm>>) target(%dma_start3A_29 : memref<1x12800xf32, #tpu.memory_space<vmem_shared>>) target_semaphore(%run_scoped3A : memref<!tpu.dma_semaphore, #tpu.memory_space<semaphore_mem>>)
        %dma_wait3A_30 = arith.constant 28 : i32
        %dma_wait3A_31 = arith.constant 0 : i32
        %dma_wait3A_32 = tpu.memref_slice %arg4[%dma_wait3A_30, %dma_wait3A_31] : memref<32x12800xf32, #tpu.memory_space<vmem_shared>> -> memref<1x12800xf32, #tpu.memory_space<vmem_shared>>
        tpu.wait_dma2 semaphore(%run_scoped3A : memref<!tpu.dma_semaphore, #tpu.memory_space<semaphore_mem>>) src(%arg2 : memref<1x12800xf32, #tpu.memory_space<hbm>>) dst(%dma_wait3A_32 : memref<1x12800xf32, #tpu.memory_space<vmem_shared>>)
        tpu.yield
      }) : () -> ()
      "tpu.region"() ({
        %run_scoped3A = tpu.sem_alloc : memref<!tpu.dma_semaphore, #tpu.memory_space<semaphore_mem>>
        %dma_start3A_27 = arith.constant 29 : i32
        %dma_start3A_28 = arith.constant 0 : i32
        %dma_start3A_29 = tpu.memref_slice %arg4[%dma_start3A_27, %dma_start3A_28] : memref<32x12800xf32, #tpu.memory_space<vmem_shared>> -> memref<1x12800xf32, #tpu.memory_space<vmem_shared>>
        tpu.enqueue_dma source(%arg2 : memref<1x12800xf32, #tpu.memory_space<hbm>>) target(%dma_start3A_29 : memref<1x12800xf32, #tpu.memory_space<vmem_shared>>) target_semaphore(%run_scoped3A : memref<!tpu.dma_semaphore, #tpu.memory_space<semaphore_mem>>)
        %dma_wait3A_30 = arith.constant 29 : i32
        %dma_wait3A_31 = arith.constant 0 : i32
        %dma_wait3A_32 = tpu.memref_slice %arg4[%dma_wait3A_30, %dma_wait3A_31] : memref<32x12800xf32, #tpu.memory_space<vmem_shared>> -> memref<1x12800xf32, #tpu.memory_space<vmem_shared>>
        tpu.wait_dma2 semaphore(%run_scoped3A : memref<!tpu.dma_semaphore, #tpu.memory_space<semaphore_mem>>) src(%arg2 : memref<1x12800xf32, #tpu.memory_space<hbm>>) dst(%dma_wait3A_32 : memref<1x12800xf32, #tpu.memory_space<vmem_shared>>)
        tpu.yield
      }) : () -> ()
      "tpu.region"() ({
        %run_scoped3A = tpu.sem_alloc : memref<!tpu.dma_semaphore, #tpu.memory_space<semaphore_mem>>
        %dma_start3A_27 = arith.constant 30 : i32
        %dma_start3A_28 = arith.constant 0 : i32
        %dma_start3A_29 = tpu.memref_slice %arg4[%dma_start3A_27, %dma_start3A_28] : memref<32x12800xf32, #tpu.memory_space<vmem_shared>> -> memref<1x12800xf32, #tpu.memory_space<vmem_shared>>
        tpu.enqueue_dma source(%arg2 : memref<1x12800xf32, #tpu.memory_space<hbm>>) target(%dma_start3A_29 : memref<1x12800xf32, #tpu.memory_space<vmem_shared>>) target_semaphore(%run_scoped3A : memref<!tpu.dma_semaphore, #tpu.memory_space<semaphore_mem>>)
        %dma_wait3A_30 = arith.constant 30 : i32
        %dma_wait3A_31 = arith.constant 0 : i32
        %dma_wait3A_32 = tpu.memref_slice %arg4[%dma_wait3A_30, %dma_wait3A_31] : memref<32x12800xf32, #tpu.memory_space<vmem_shared>> -> memref<1x12800xf32, #tpu.memory_space<vmem_shared>>
        tpu.wait_dma2 semaphore(%run_scoped3A : memref<!tpu.dma_semaphore, #tpu.memory_space<semaphore_mem>>) src(%arg2 : memref<1x12800xf32, #tpu.memory_space<hbm>>) dst(%dma_wait3A_32 : memref<1x12800xf32, #tpu.memory_space<vmem_shared>>)
        tpu.yield
      }) : () -> ()
      "tpu.region"() ({
        %run_scoped3A = tpu.sem_alloc : memref<!tpu.dma_semaphore, #tpu.memory_space<semaphore_mem>>
        %dma_start3A_27 = arith.constant 31 : i32
        %dma_start3A_28 = arith.constant 0 : i32
        %dma_start3A_29 = tpu.memref_slice %arg4[%dma_start3A_27, %dma_start3A_28] : memref<32x12800xf32, #tpu.memory_space<vmem_shared>> -> memref<1x12800xf32, #tpu.memory_space<vmem_shared>>
        tpu.enqueue_dma source(%arg2 : memref<1x12800xf32, #tpu.memory_space<hbm>>) target(%dma_start3A_29 : memref<1x12800xf32, #tpu.memory_space<vmem_shared>>) target_semaphore(%run_scoped3A : memref<!tpu.dma_semaphore, #tpu.memory_space<semaphore_mem>>)
        %dma_wait3A_30 = arith.constant 31 : i32
        %dma_wait3A_31 = arith.constant 0 : i32
        %dma_wait3A_32 = tpu.memref_slice %arg4[%dma_wait3A_30, %dma_wait3A_31] : memref<32x12800xf32, #tpu.memory_space<vmem_shared>> -> memref<1x12800xf32, #tpu.memory_space<vmem_shared>>
        tpu.wait_dma2 semaphore(%run_scoped3A : memref<!tpu.dma_semaphore, #tpu.memory_space<semaphore_mem>>) src(%arg2 : memref<1x12800xf32, #tpu.memory_space<hbm>>) dst(%dma_wait3A_32 : memref<1x12800xf32, #tpu.memory_space<vmem_shared>>)
        tpu.yield
      }) : () -> ()
    } else {
    }
    %barrier3A = arith.constant 0 : index
    tpu.barrier barrier_id(%barrier3A)
    %add3A_5 = arith.constant 0 : i32
    %add3A_6 = arith.addi %mul3A_2, %add3A_5 : i32
    %add3A_7 = arith.constant 32 : i32
    %add3A_8 = arith.addi %mul3A_2, %add3A_7 : i32
    %add3A_9 = arith.constant 64 : i32
    %add3A_10 = arith.addi %mul3A_2, %add3A_9 : i32
    %add3A_11 = arith.constant 96 : i32
    %add3A_12 = arith.addi %mul3A_2, %add3A_11 : i32
    %dma_start3A = arith.constant 0 : i32
    %dma_start3A_13 = tpu.memref_slice %arg3[%add3A_6, %dma_start3A] : memref<4096x12800xf32, #tpu.memory_space<hbm>> -> memref<32x12800xf32, #tpu.memory_space<hbm>>
    tpu.enqueue_dma source(%arg4 : memref<32x12800xf32, #tpu.memory_space<vmem_shared>>) target(%dma_start3A_13 : memref<32x12800xf32, #tpu.memory_space<hbm>>) target_semaphore(%arg5 : memref<!tpu.dma_semaphore, #tpu.memory_space<semaphore_mem>>)
    %dma_start3A_14 = arith.constant 0 : i32
    %dma_start3A_15 = tpu.memref_slice %arg3[%add3A_8, %dma_start3A_14] : memref<4096x12800xf32, #tpu.memory_space<hbm>> -> memref<32x12800xf32, #tpu.memory_space<hbm>>
    tpu.enqueue_dma source(%arg4 : memref<32x12800xf32, #tpu.memory_space<vmem_shared>>) target(%dma_start3A_15 : memref<32x12800xf32, #tpu.memory_space<hbm>>) target_semaphore(%arg5 : memref<!tpu.dma_semaphore, #tpu.memory_space<semaphore_mem>>)
    %dma_start3A_16 = arith.constant 0 : i32
    %dma_start3A_17 = tpu.memref_slice %arg3[%add3A_10, %dma_start3A_16] : memref<4096x12800xf32, #tpu.memory_space<hbm>> -> memref<32x12800xf32, #tpu.memory_space<hbm>>
    tpu.enqueue_dma source(%arg4 : memref<32x12800xf32, #tpu.memory_space<vmem_shared>>) target(%dma_start3A_17 : memref<32x12800xf32, #tpu.memory_space<hbm>>) target_semaphore(%arg5 : memref<!tpu.dma_semaphore, #tpu.memory_space<semaphore_mem>>)
    %dma_start3A_18 = arith.constant 0 : i32
    %dma_start3A_19 = tpu.memref_slice %arg3[%add3A_12, %dma_start3A_18] : memref<4096x12800xf32, #tpu.memory_space<hbm>> -> memref<32x12800xf32, #tpu.memory_space<hbm>>
    tpu.enqueue_dma source(%arg4 : memref<32x12800xf32, #tpu.memory_space<vmem_shared>>) target(%dma_start3A_19 : memref<32x12800xf32, #tpu.memory_space<hbm>>) target_semaphore(%arg5 : memref<!tpu.dma_semaphore, #tpu.memory_space<semaphore_mem>>)
    %dma_wait3A = arith.constant 0 : i32
    %dma_wait3A_20 = tpu.memref_slice %arg3[%add3A_6, %dma_wait3A] : memref<4096x12800xf32, #tpu.memory_space<hbm>> -> memref<32x12800xf32, #tpu.memory_space<hbm>>
    tpu.wait_dma2 semaphore(%arg5 : memref<!tpu.dma_semaphore, #tpu.memory_space<semaphore_mem>>) src(%arg4 : memref<32x12800xf32, #tpu.memory_space<vmem_shared>>) dst(%dma_wait3A_20 : memref<32x12800xf32, #tpu.memory_space<hbm>>)
    %dma_wait3A_21 = arith.constant 0 : i32
    %dma_wait3A_22 = tpu.memref_slice %arg3[%add3A_8, %dma_wait3A_21] : memref<4096x12800xf32, #tpu.memory_space<hbm>> -> memref<32x12800xf32, #tpu.memory_space<hbm>>
    tpu.wait_dma2 semaphore(%arg5 : memref<!tpu.dma_semaphore, #tpu.memory_space<semaphore_mem>>) src(%arg4 : memref<32x12800xf32, #tpu.memory_space<vmem_shared>>) dst(%dma_wait3A_22 : memref<32x12800xf32, #tpu.memory_space<hbm>>)
    %dma_wait3A_23 = arith.constant 0 : i32
    %dma_wait3A_24 = tpu.memref_slice %arg3[%add3A_10, %dma_wait3A_23] : memref<4096x12800xf32, #tpu.memory_space<hbm>> -> memref<32x12800xf32, #tpu.memory_space<hbm>>
    tpu.wait_dma2 semaphore(%arg5 : memref<!tpu.dma_semaphore, #tpu.memory_space<semaphore_mem>>) src(%arg4 : memref<32x12800xf32, #tpu.memory_space<vmem_shared>>) dst(%dma_wait3A_24 : memref<32x12800xf32, #tpu.memory_space<hbm>>)
    %dma_wait3A_25 = arith.constant 0 : i32
    %dma_wait3A_26 = tpu.memref_slice %arg3[%add3A_12, %dma_wait3A_25] : memref<4096x12800xf32, #tpu.memory_space<hbm>> -> memref<32x12800xf32, #tpu.memory_space<hbm>>
    tpu.wait_dma2 semaphore(%arg5 : memref<!tpu.dma_semaphore, #tpu.memory_space<semaphore_mem>>) src(%arg4 : memref<32x12800xf32, #tpu.memory_space<vmem_shared>>) dst(%dma_wait3A_26 : memref<32x12800xf32, #tpu.memory_space<hbm>>)
    return
  }
}

</mosaic_0001>

<sc_bundles>
// kernel: kernel.3.cloned.1.call-start
scs
__scs_entry_jumppad:
0x0: {  	(pc) =	sbr.rel $0x88, $3  }
0x1: {  	(tag) =	ssettag $0x0;
	lr =	simm.s32 $0x1  }
0x2: {  	[smem:$0x3FA0] =	sst lr;
	_ =	strace $0xD0000000  }
0x3: {  	_ = 	snop  }
0x4: {  	_ = 	snop  }
0x5: {  	_ = 	snop  }
0x6: {  	_ = 	snop  }
0x7: {  	_ = 	snop  }
__scs_overlays_trampoline_lowered:
0x8: {  	[smem:$0x3FAF] =	sst s0  }
0x9: {  	[smem:$0x3FB0] =	sst s1  }
0xa: {  	[smem:$0x3FB1] =	sst s2  }
0xb: {  	[smem:$0x3FB2] =	sst s3  }
0xc: {  	[smem:$0x3FB3] =	sst s4  }
0xd: {  	[smem:$0x3FB4] =	sst s5  }
0xe: {  	[smem:$0x3FB5] =	sst s6  }
0xf: {  	[smem:$0x3FB6] =	sst s7  }
0x10: {  	[smem:$0x3FB7] =	sst s8  }
0x11: {  	[smem:$0x3FB8] =	sst s9;
	s0 =	simm.s32 @!p0 $0x0  }
0x12: {  	s1 =	sld [smem:$0x3F9E];
	s0 =	simm.s32 @p0 $0x1  }
0x13: {  	[smem:$0x3FB9] =	sst s0;
	s0 =	simm.s32 @!p1 $0x0  }
0x14: {  	s2 =	sld [smem:$0x3F9D];
	s0 =	simm.s32 @p1 $0x1  }
0x15: {  	[smem:$0x3FBA] =	sst s0;
	s0 =	simm.s32 @!p2 $0x0  }
0x16: {  	s3 =	sld [smem:$0x3FDB];
	s0 =	simm.s32 @p2 $0x1  }
0x17: {  	s4 =	simm.s32 $0x1BF5;
	[smem:$0x3FBC] =	sst s0  }
0x18: {  	s0 =	sld [smem:$0x3F9F];
	_ =	swait.ge [sflag:s4], $0x0  }
0x19: {  	s7 =	sld [smem:$0x3FA0]  }
0x1a: {  	s8 =	sadd.s32 $0xFFFFE003, lr  }
0x1b: {  	s9 =	sadd.s32 $0xFFFFFEF7, lr;
	s5 =	simm.s32 $0xFFFFFFFF;
	p2 =	slt.u32 s8, $0xFFFFF086  }
0x1c: {  	p1 =	slt.u32 s9, $0xF7A;
	s5 =	simm.s32 @!p2 $0x0  }
0x1d: {  	s5 =	simm.s32 @p1 $0x1;
	p0 =	seq.s32 s7, s2  }
0x1e: {  	s7 =	smul.u32 @!p0 $0xF7A, s2;
	p2 =	seq.s32 @!p0 s5, $0x0  }
0x1f: {  	s9 =	smul.u32 $0xF7A, s1;
	s8 =	simm.s32 @!p0 $0x1BF5;
	p2 =	por !p2, p0  }
0x20: {  	[sflag:s8] =	ssyncset.s32 @!p0 $0xFFFFF086;
	s6 =	sadd.s32 @!p0 s3, s7;
	s7 =	simm.s32 @!p0 $0x108  }
0x21: {  	s3 =	sadd.s32 s3, s9;
	s6 =	sadd.s32 @!p0 $0x88, s6;
	s7 =	simm.s32 @p2 $0x1082  }
0x22: {  	[simem:s7], [sflag:s8] =	dma.local @!p0 [hbm:s6], $0xF7A  }
0x23: {  	s9 =	sor.u32 $0xD0000000, s2;
	s6 =	simm.s32 $0x108;
	_ =	swait.ge @!p0 [sflag:s8], $0x0  }
0x24: {  	s3 =	sadd.s32 $0x88, s3;
	s6 =	simm.s32 @!p1 $0x1082;
	[sflag:s4] =	ssyncset.s32 $0xFFFFF086  }
0x25: {  	[simem:s6], [sflag:s4] =	dma.local [hbm:s3], $0xF7A  }
0x26: {  	[smem:$0x3FA0] =	sst s1;
	(tag) =	ssettag s2;
	_ =	strace s9  }
0x27: {  	s1 =	sld [smem:$0x3FB0]  }
0x28: {  	s2 =	sld [smem:$0x3FB1]  }
0x29: {  	s4 =	sld [smem:$0x3FB3]  }
0x2a: {  	p0 =	seq.s32 s5, $0x0;
	s5 =	sld [smem:$0x3FB4]  }
0x2b: {  	s6 =	sld [smem:$0x3FB5]  }
0x2c: {  	s7 =	sld [smem:$0x3FB6]  }
0x2d: {  	s3 =	simm.s32 $0x108;
	s8 =	sld [smem:$0x3FB7]  }
0x2e: {  	s3 =	simm.s32 @!p0 $0x1082;
	s9 =	sld [smem:$0x3FB8]  }
0x2f: {  	lr =	sadd.s32 s0, s3;
	s0 =	sld [smem:$0x3FAF]  }
0x30: {  	s3 =	sld [smem:$0x3FB2]  }
0x31: {  	[smem:$0x3FBB] =	sst s10  }
0x32: {  	s10 =	sld [smem:$0x3FB9];
	_ =	sdelay $0x3  }
0x33: {  	p0 =	seq.s32 s10, $0x1;
	s10 =	sld [smem:$0x3FBB];
	_ =	sdelay $0x3  }
0x34: {  	[smem:$0x3FBB] =	sst s10  }
0x35: {  	s10 =	sld [smem:$0x3FBA];
	_ =	sdelay $0x3  }
0x36: {  	p1 =	seq.s32 s10, $0x1;
	s10 =	sld [smem:$0x3FBB];
	_ =	sdelay $0x3  }
0x37: {  	[smem:$0x3FBB] =	sst s10  }
0x38: {  	s10 =	sld [smem:$0x3FBC]  }
0x39: {  	_ = 	snop;
	(pc) =	sbr.ind lr, $3  }
0x3a: {  	_ = 	snop  }
0x3b: {  	_ = 	snop  }
0x3c: {  	p2 =	seq.s32 s10, $0x1;
	s10 =	sld [smem:$0x3FBB]  }
0x3d: {  	_ =	shalt  }
0x3e: {  	_ =	shalt  }
0x3f: {  	_ =	shalt  }
0x40: {  	_ =	shalt  }
0x41: {  	_ =	shalt  }
0x42: {  	_ =	shalt  }
0x43: {  	_ =	shalt  }
0x44: {  	_ =	shalt  }
0x45: {  	_ =	shalt  }
0x46: {  	_ =	shalt  }
0x47: {  	_ =	shalt  }
0x48: {  	_ =	shalt  }
0x49: {  	_ =	shalt  }
0x4a: {  	_ =	shalt  }
0x4b: {  	_ =	shalt  }
0x4c: {  	_ =	shalt  }
0x4d: {  	_ =	shalt  }
0x4e: {  	_ =	shalt  }
0x4f: {  	_ =	shalt  }
0x50: {  	_ =	shalt  }
0x51: {  	_ =	shalt  }
0x52: {  	_ =	shalt  }
0x53: {  	_ =	shalt  }
0x54: {  	_ =	shalt  }
0x55: {  	_ =	shalt  }
0x56: {  	_ =	shalt  }
0x57: {  	_ =	shalt  }
0x58: {  	_ =	shalt  }
0x59: {  	_ =	shalt  }
0x5a: {  	_ =	shalt  }
0x5b: {  	_ =	shalt  }
0x5c: {  	_ =	shalt  }
0x5d: {  	_ =	shalt  }
0x5e: {  	_ =	shalt  }
0x5f: {  	_ =	shalt  }
0x60: {  	_ =	shalt  }
0x61: {  	_ =	shalt  }
0x62: {  	_ =	shalt  }
0x63: {  	_ =	shalt  }
0x64: {  	_ =	shalt  }
0x65: {  	_ =	shalt  }
0x66: {  	_ =	shalt  }
0x67: {  	_ =	shalt  }
0x68: {  	_ =	shalt  }
0x69: {  	_ =	shalt  }
0x6a: {  	_ =	shalt  }
0x6b: {  	_ =	shalt  }
0x6c: {  	_ =	shalt  }
0x6d: {  	_ =	shalt  }
0x6e: {  	_ =	shalt  }
0x6f: {  	_ =	shalt  }
0x70: {  	_ =	shalt  }
0x71: {  	_ =	shalt  }
0x72: {  	_ =	shalt  }
0x73: {  	_ =	shalt  }
0x74: {  	_ =	shalt  }
0x75: {  	_ =	shalt  }
0x76: {  	_ =	shalt  }
0x77: {  	_ =	shalt  }
0x78: {  	_ =	shalt  }
0x79: {  	_ =	shalt  }
0x7a: {  	_ =	shalt  }
0x7b: {  	_ =	shalt  }
0x7c: {  	_ =	shalt  }
0x7d: {  	_ =	shalt  }
0x7e: {  	_ =	shalt  }
0x7f: {  	_ =	shalt  }
0x80: {  	_ =	shalt  }
0x81: {  	_ =	shalt  }
0x82: {  	_ =	shalt  }
0x83: {  	_ =	shalt  }
0x84: {  	_ =	shalt  }
0x85: {  	_ =	shalt  }
0x86: {  	_ =	shalt  }
0x87: {  	_ =	shalt  }
.Lfunc_end0:
.L_simem_size_0:
called_computation_lowered:
.L_overlay_start_0:
0x88: {  	s2 =	sld [smem:$0x3FD9]  }
0x89: {  	s3 =	sld [smem:$0x3FFE];
	_ =	sdelay $0x1  }
0x8a: {  	s1 =	srdreg.scid  }
0x8b: {  	s0 =	sand.u32 $0x1, s1  }
0x8c: {  	s17 =	sshll.u32 s0, $0xA;
	s2 =	sadd.s32 s3, s2  }
0x8d: {  	s2 =	sadd.s32 s2, s17  }
0x8e: {  	[smem:$0x3FC7] =	sst s2  }
0x8f: {  	_ = 	snop  }
0x90: {  	s2 =	sld [smem:$0x3FD0];
	(tm) =	ssettm $0x1  }
0x91: {  	s18 =	sld [smem:$0x3FFB];
	_ =	sdelay $0x3  }
0x92: {  	_ =	strace s18  }
0x93: {  	s3 =	sld [smem:$0x3FFC];
	_ =	sdelay $0x3  }
0x94: {  	_ =	strace s3  }
0x95: {  	s3 =	sld [smem:$0x3FFD];
	_ =	sdelay $0x3  }
0x96: {  	_ =	strace s3  }
0x97: {  	_ =	strace $0x8FFFFFFF  }
0x98: {  	s19 =	sld [smem:$0x3FDB];
	_ =	sdelay $0x1  }
0x99: {  	s4 =	simm.s32 $_scs_section_size  }
0x9a: {  	s5 =	simm.s32 $_size__tile_overlayer_lowered;
	s6 =	simm.s32 $_tile_overlayer_lowered  }
0x9b: {  	s22 =	simm.s32 $0x1BFF;
	s21 =	sshll.u32 s6, $0x1;
	s3 =	sadd.s32 s4, s19  }
0x9c: {  	s7 =	simm.s32 $0x0;
	s20 =	sshll.u32 s5, $0x1;
	s5 =	sadd.s32 s21, s3  }
0x9d: {  	[timem:s7], [sflag:s22] =	dma.local [hbm:s5], s20  }
0x9e: {  	_ =	swait.ge [sflag:s22], s20  }
0x9f: {  	s4 =	ssub.s32 $0x0, s20;
	[sflag:s22] =	ssyncset.done $0x0  }
0xa0: {  	[sflag:s22] =	ssyncadd.s32 s4;
	_ =	sdelay $0x1  }
0xa1: {  	s23 =	simm.s32 $0x1B8B  }
0xa2: {  	_ =	swait.ge [sflag:s23], $0x1  }
0xa3: {  	[sflag:s23] =	ssyncset.done $0x0  }
0xa4: {  	s25 =	simm.s32 $0x1B8E;
	s24 =	sld [smem:$0x3FFE];
	[sflag:s23] =	ssyncadd.s32 $0xFFFFFFFF  }
0xa5: {  	s26 =	simm.s32 $execute0_lowered;
	[smem:$0x3FD2] =	sst s25  }
0xa6: {  	s5 =	sshll.u32 s26, $0x1;
	_ =	strace $0x80000046;
	[dreg:$0x1] =	wrdreg $0xFFFFFFFF  }
0xa7: {  	s28 =	simm.s32 $_size_execute0_lowered;
	s3 =	sadd.s32 s3, s5;
	[dreg:$0x0] =	wrdreg $0x0  }
0xa8: {  	s5 =	sshll.u32 s28, $0x1;
	[dreg:$0x2] =	wrdreg s3  }
0xa9: {  	[dreg:$0x3] =	wrdreg s5  }
0xaa: {  	[dreg:$0x4] =	wrdreg $0xC0  }
0xab: {  	_ =	task [dreg:s7], $0x5FFFF  }
0xac: {  	[dreg:$0x1] =	wrdreg $0xFFFFFFFF  }
0xad: {  	[dreg:$0x0] =	wrdreg $0x60  }
0xae: {  	[dreg:$0x2] =	wrdreg s2  }
0xaf: {  	[dreg:$0x3] =	wrdreg s24  }
0xb0: {  	[dreg:$0x4] =	wrdreg $0x0  }
0xb1: {  	[dreg:$0x5] =	wrdreg $0x9  }
0xb2: {  	_ =	task.clear_ibuf [dreg:s7], $0x6FFFF;
	_ =	strace $0x90000046  }
0xb3: {  	s29 =	simm.s32 $0x9;
	_ =	strace $0x80000048  }
0xb4: {  	_ =	swait.ge [sflag:s29], $0x1  }
0xb5: {  	[sflag:s29] =	ssyncadd.s32 $0xFFFFFFFF  }
0xb6: {  	_ =	strace $0x90000048  }
0xb7: {  	_ =	sfence  }
0xb8: {  	s30 =	sld [smem:$0x0];
	_ =	sdelay $0x2  }
0xb9: {  	s31 =	sshll.u32 s1, $0xD;
	s1 =	sshrl.u32 s1, $0x2  }
0xba: {  	s3 =	sand.u32 $0x4000, s31;
	s1 =	sadd.s32 s1, s30  }
0xbb: {  	s0 =	sor.u32 s3, s0;
	s1 =	sshll.u32 s1, $0x11  }
0xbc: {  	s0 =	sor.u32 s1, s0  }
0xbd: {  	s0 =	sadd.s32 $0x8F2B, s0  }
0xbe: {  	[sflag:s0] =	ssyncadd.remote.s32 $0x1  }
0xbf: {  	_ =	sfence.sel $0xFFFF  }
0xc0: {  	[dreg:$0x0] =	wrdreg $0xFFFFFFFF;
	(pc) =	sbr.abs _section_cstart, $3  }
0xc1: {  	[dreg:$0x1] =	wrdreg $0xFFFFFFFF  }
0xc2: {  	_ =	task.clear_ibuf [dreg:s7], $0x2FFFF;
	_ =	strace $0x9FFFFFFF  }
0xc3: {  	(tm) =	ssettm $0x7FFFFFFF  }
tec
execute0_lowered:
.L_overlay_start_1:
0x0: {  	(tag) =	ssettag $0x1  }
0x1: {  	s1 =	rddreg [dreg:$0x0]  }
0x2: {  	s0 =	rddreg [dreg:$0x1]  }
0x3: {  	s2 =	rddreg [dreg:$0x2];
	s3 =	simm.s32 $0x0;
	s4 =	srdreg.scid  }
0x4: {  	[smem:$0x7FF] =	sst s3;
	s4 =	sand.u32 $0x1, s4  }
0x5: {  	s0 =	sadd.s32 $0x400, s0;
	s3 =	stileid.u32;
	s9 =	sadd.s32 $0x80, s2  }
0x6: {  	s10 =	sadd.s32 $0x100, s2;
	s11 =	sadd.s32 $0x180, s2;
	s12 =	sadd.s32 $0x200, s2  }
0x7: {  	s13 =	sadd.s32 $0x280, s2;
	s14 =	sadd.s32 $0x300, s2;
	s15 =	sadd.s32 $0x380, s2  }
0x8: {  	s16 =	sadd.s32 $0x19000, s2;
	s17 =	sadd.s32 $0x19080, s2;
	s18 =	sadd.s32 $0x19100, s2  }
0x9: {  	s19 =	sadd.s32 $0x19180, s2;
	s20 =	sadd.s32 $0x19200, s2;
	s9 =	sshrl.u32 s9, $0x3  }
0xa: {  	_ =	strace $0x80000047;
	s10 =	sshrl.u32 s10, $0x3;
	[dreg:$0x4] =	wrdreg s9  }
0xb: {  	s21 =	sadd.s32 $0x19280, s2;
	s11 =	sshrl.u32 s11, $0x3;
	[dreg:$0x5] =	wrdreg s10  }
0xc: {  	s22 =	sadd.s32 $0x19300, s2;
	s12 =	sshrl.u32 s12, $0x3;
	[dreg:$0x6] =	wrdreg s11  }
0xd: {  	s23 =	sadd.s32 $0x19380, s2;
	s13 =	sshrl.u32 s13, $0x3;
	[dreg:$0x7] =	wrdreg s12  }
0xe: {  	s24 =	sadd.s32 $0x32000, s2;
	s14 =	sshrl.u32 s14, $0x3;
	[dreg:$0x8] =	wrdreg s13  }
0xf: {  	s25 =	sadd.s32 $0x32080, s2;
	s15 =	sshrl.u32 s15, $0x3;
	[dreg:$0x9] =	wrdreg s14  }
0x10: {  	s5 =	ssub.s32 $0x2, s4;
	s16 =	sshrl.u32 s16, $0x3;
	[dreg:$0xa] =	wrdreg s15  }
0x11: {  	s7 =	sshll.u32 s3, $0x5;
	s17 =	sshrl.u32 s17, $0x3;
	[dreg:$0xb] =	wrdreg s16  }
0x12: {  	s4 =	sshll.u32 s4, $0x4;
	s18 =	sshrl.u32 s18, $0x3;
	[dreg:$0xc] =	wrdreg s17  }
0x13: {  	p0 =	sne.s32 s3, $0x0;
	s19 =	sshrl.u32 s19, $0x3;
	[dreg:$0xd] =	wrdreg s18  }
0x14: {  	s20 =	sshrl.u32 s20, $0x3;
	s21 =	sshrl.u32 s21, $0x3;
	[dreg:$0xe] =	wrdreg s19  }
0x15: {  	s26 =	sshrl.u32 s22, $0x3;
	s24 =	sshrl.u32 s24, $0x3;
	[dreg:$0xf] =	wrdreg s20  }
0x16: {  	s25 =	sshrl.u32 s25, $0x3;
	s22 =	sadd.s32 $0x4B300, s2;
	[dreg:$0x10] =	wrdreg s21  }
0x17: {  	s6 =	sshrl.u32 s5, $0x1;
	s4 =	sor.u32 s4, s7;
	[dreg:$0x11] =	wrdreg s26  }
0x18: {  	s9 =	sshrl.u32 s23, $0x3;
	s10 =	sadd.s32 $0x32100, s2;
	s11 =	sadd.s32 $0x32180, s2  }
0x19: {  	s12 =	sadd.s32 $0x32200, s2;
	s13 =	sadd.s32 $0x32280, s2;
	s14 =	sadd.s32 $0x32300, s2  }
0x1a: {  	s15 =	sadd.s32 $0x32380, s2;
	s16 =	sadd.s32 $0x4B000, s2;
	s17 =	sadd.s32 $0x4B080, s2  }
0x1b: {  	s18 =	sadd.s32 $0x4B100, s2;
	s19 =	sadd.s32 $0x4B180, s2;
	s20 =	sadd.s32 $0x4B200, s2  }
0x1c: {  	s21 =	sadd.s32 $0x4B280, s2;
	s8 =	ssub.s32 s5, s6;
	s5 =	smul.u32 $0x19000, s4  }
0x1d: {  	s23 =	sadd.s32 $0x4B380, s2;
	s4 =	smul.u32 $0x3200, s4;
	[dreg:$0x12] =	wrdreg s9  }
0x1e: {  	s26 =	sshrl.u32 s10, $0x3;
	s28 =	sshrl.u32 s11, $0x3;
	s29 =	sshrl.u32 s12, $0x3  }
0x1f: {  	s30 =	sshrl.u32 s13, $0x3;
	s31 =	sshrl.u32 s14, $0x3;
	s9 =	sshrl.u32 s16, $0x3  }
0x20: {  	s10 =	sshrl.u32 s17, $0x3;
	s11 =	sshrl.u32 s18, $0x3;
	s12 =	sshrl.u32 s19, $0x3  }
0x21: {  	s13 =	sshrl.u32 s20, $0x3;
	s14 =	sshrl.u32 s21, $0x3;
	s16 =	sshrl.u32 s23, $0x3  }
.Ltmp0:
0x22: {  	s17 =	simm.s32 $0x1;
	s18 =	simm.s32 $0x80;
	(pc) =	sbr.rel .LBB2_1-.Ltmp0, $4  }
0x23: {  	s19 =	simm.s32 $0x10;
	s20 =	simm.s32 $0x1C02;
	s21 =	simm.s32 $0x2  }
0x24: {  	s8 =	smax.u32 s8, $0x1;
	s5 =	sshrl.u32 s5, $0x3;
	s4 =	sadd.s32 s0, s4  }
0x25: {  	s7 =	sadd.s32 s0, s5;
	s0 =	sshrl.u32 s15, $0x3;
	s15 =	sshrl.u32 s22, $0x3  }
0x26: {  	s5 =	sadd.s32 $0xC800, s7;
	s6 =	sadd.s32 $0x19000, s7;
	s7 =	sadd.s32 $0x25800, s7  }
.LBB2_3:
0x27: {  	s23 =	sshll.u32 s3, $0x6  }
0x28: {  	[bflag:$0x0] =	sbarrier.arrive $0xFFFF;
	s23 =	sor.u32 $0x1C01, s23  }
0x29: {  	[hbm:s4], [sflag:s23] =	dma.local [spmem:s22], $0xC800  }
0x2a: {  	[hbm:s5], [sflag:s23] =	dma.local [spmem:s22], $0xC800  }
0x2b: {  	[hbm:s6], [sflag:s23] =	dma.local [spmem:s22], $0xC800  }
0x2c: {  	[hbm:s7], [sflag:s23] =	dma.local [spmem:s22], $0xC800  }
0x2d: {  	_ =	swait.ge [sflag:s17], $0xC800  }
0x2e: {  	[sflag:s17] =	ssyncset.done $0x0  }
0x2f: {  	[sflag:s17] =	ssyncadd.s32 $0xFFFF3800  }
0x30: {  	_ =	swait.ge [sflag:s17], $0xC800  }
0x31: {  	[sflag:s17] =	ssyncset.done $0x0  }
0x32: {  	s8 =	sadd.s32 $0xFFFFFFFF, s8;
	[sflag:s17] =	ssyncadd.s32 $0xFFFF3800  }
0x33: {  	p1 =	sne.s32 s8, $0x0;
	_ =	swait.ge [sflag:s17], $0xC800  }
.Ltmp1:
0x34: {  	[sflag:s17] =	ssyncset.done $0x0;
	(pc) =	sbr.rel @!p1 .LBB2_4-.Ltmp1, $4  }
0x35: {  	[sflag:s17] =	ssyncadd.s32 $0xFFFF3800  }
0x36: {  	_ =	swait.ge [sflag:s17], $0xC800  }
0x37: {  	[sflag:s17] =	ssyncset.done $0x0  }
0x38: {  	[sflag:s17] =	ssyncadd.s32 $0xFFFF3800  }
.LBB2_1:
.Ltmp2:
0x39: {  	(pc) =	sbr.rel @p0 .LBB2_3-.Ltmp2, $2  }
0x3a: {  	_ =	sdelay $0x2  }
0x3b: {  	s22 =	sshrl.u32 s2, $0x3  }
0x3c: {  	[spmem:s22@s18], [sflag:s20] =	dma.strided [hbm:s1@s19], $0x640, s17, $0x10   }
0x3d: {  	_ =	swait.ge [sflag:s21], $0x640  }
0x3e: {  	[sflag:s21] =	ssyncset.done $0x0  }
0x3f: {  	s23 =	rddreg [dreg:$0x4];
	[sflag:s21] =	ssyncadd.s32 $0xFFFFF9C0  }
0x40: {  	[spmem:s23@s18], [sflag:s20] =	dma.strided [hbm:s1@s19], $0x640, s17, $0x10   }
0x41: {  	_ =	swait.ge [sflag:s21], $0x640  }
0x42: {  	[sflag:s21] =	ssyncset.done $0x0  }
0x43: {  	s23 =	rddreg [dreg:$0x5];
	[sflag:s21] =	ssyncadd.s32 $0xFFFFF9C0  }
0x44: {  	[spmem:s23@s18], [sflag:s20] =	dma.strided [hbm:s1@s19], $0x640, s17, $0x10   }
0x45: {  	_ =	swait.ge [sflag:s21], $0x640  }
0x46: {  	[sflag:s21] =	ssyncset.done $0x0  }
0x47: {  	s23 =	rddreg [dreg:$0x6];
	[sflag:s21] =	ssyncadd.s32 $0xFFFFF9C0  }
0x48: {  	[spmem:s23@s18], [sflag:s20] =	dma.strided [hbm:s1@s19], $0x640, s17, $0x10   }
0x49: {  	_ =	swait.ge [sflag:s21], $0x640  }
0x4a: {  	[sflag:s21] =	ssyncset.done $0x0  }
0x4b: {  	s23 =	rddreg [dreg:$0x7];
	[sflag:s21] =	ssyncadd.s32 $0xFFFFF9C0  }
0x4c: {  	[spmem:s23@s18], [sflag:s20] =	dma.strided [hbm:s1@s19], $0x640, s17, $0x10   }
0x4d: {  	_ =	swait.ge [sflag:s21], $0x640  }
0x4e: {  	[sflag:s21] =	ssyncset.done $0x0  }
0x4f: {  	s23 =	rddreg [dreg:$0x8];
	[sflag:s21] =	ssyncadd.s32 $0xFFFFF9C0  }
0x50: {  	[spmem:s23@s18], [sflag:s20] =	dma.strided [hbm:s1@s19], $0x640, s17, $0x10   }
0x51: {  	_ =	swait.ge [sflag:s21], $0x640  }
0x52: {  	[sflag:s21] =	ssyncset.done $0x0  }
0x53: {  	s23 =	rddreg [dreg:$0x9];
	[sflag:s21] =	ssyncadd.s32 $0xFFFFF9C0  }
0x54: {  	[spmem:s23@s18], [sflag:s20] =	dma.strided [hbm:s1@s19], $0x640, s17, $0x10   }
0x55: {  	_ =	swait.ge [sflag:s21], $0x640  }
0x56: {  	[sflag:s21] =	ssyncset.done $0x0  }
0x57: {  	s23 =	rddreg [dreg:$0xa];
	[sflag:s21] =	ssyncadd.s32 $0xFFFFF9C0  }
0x58: {  	[spmem:s23@s18], [sflag:s20] =	dma.strided [hbm:s1@s19], $0x640, s17, $0x10   }
0x59: {  	_ =	swait.ge [sflag:s21], $0x640  }
0x5a: {  	[sflag:s21] =	ssyncset.done $0x0  }
0x5b: {  	s23 =	rddreg [dreg:$0xb];
	[sflag:s21] =	ssyncadd.s32 $0xFFFFF9C0  }
0x5c: {  	[spmem:s23@s18], [sflag:s20] =	dma.strided [hbm:s1@s19], $0x640, s17, $0x10   }
0x5d: {  	_ =	swait.ge [sflag:s21], $0x640  }
0x5e: {  	[sflag:s21] =	ssyncset.done $0x0  }
0x5f: {  	s23 =	rddreg [dreg:$0xc];
	[sflag:s21] =	ssyncadd.s32 $0xFFFFF9C0  }
0x60: {  	[spmem:s23@s18], [sflag:s20] =	dma.strided [hbm:s1@s19], $0x640, s17, $0x10   }
0x61: {  	_ =	swait.ge [sflag:s21], $0x640  }
0x62: {  	[sflag:s21] =	ssyncset.done $0x0  }
0x63: {  	s23 =	rddreg [dreg:$0xd];
	[sflag:s21] =	ssyncadd.s32 $0xFFFFF9C0  }
0x64: {  	[spmem:s23@s18], [sflag:s20] =	dma.strided [hbm:s1@s19], $0x640, s17, $0x10   }
0x65: {  	_ =	swait.ge [sflag:s21], $0x640  }
0x66: {  	[sflag:s21] =	ssyncset.done $0x0  }
0x67: {  	s23 =	rddreg [dreg:$0xe];
	[sflag:s21] =	ssyncadd.s32 $0xFFFFF9C0  }
0x68: {  	[spmem:s23@s18], [sflag:s20] =	dma.strided [hbm:s1@s19], $0x640, s17, $0x10   }
0x69: {  	_ =	swait.ge [sflag:s21], $0x640  }
0x6a: {  	[sflag:s21] =	ssyncset.done $0x0  }
0x6b: {  	s23 =	rddreg [dreg:$0xf];
	[sflag:s21] =	ssyncadd.s32 $0xFFFFF9C0  }
0x6c: {  	[spmem:s23@s18], [sflag:s20] =	dma.strided [hbm:s1@s19], $0x640, s17, $0x10   }
0x6d: {  	_ =	swait.ge [sflag:s21], $0x640  }
0x6e: {  	[sflag:s21] =	ssyncset.done $0x0  }
0x6f: {  	s23 =	rddreg [dreg:$0x10];
	[sflag:s21] =	ssyncadd.s32 $0xFFFFF9C0  }
0x70: {  	[spmem:s23@s18], [sflag:s20] =	dma.strided [hbm:s1@s19], $0x640, s17, $0x10   }
0x71: {  	_ =	swait.ge [sflag:s21], $0x640  }
0x72: {  	[sflag:s21] =	ssyncset.done $0x0  }
0x73: {  	s23 =	rddreg [dreg:$0x11];
	[sflag:s21] =	ssyncadd.s32 $0xFFFFF9C0  }
0x74: {  	[spmem:s23@s18], [sflag:s20] =	dma.strided [hbm:s1@s19], $0x640, s17, $0x10   }
0x75: {  	_ =	swait.ge [sflag:s21], $0x640  }
0x76: {  	[sflag:s21] =	ssyncset.done $0x0  }
0x77: {  	s23 =	rddreg [dreg:$0x12];
	[sflag:s21] =	ssyncadd.s32 $0xFFFFF9C0  }
0x78: {  	[spmem:s23@s18], [sflag:s20] =	dma.strided [hbm:s1@s19], $0x640, s17, $0x10   }
0x79: {  	_ =	swait.ge [sflag:s21], $0x640  }
0x7a: {  	[sflag:s21] =	ssyncset.done $0x0  }
0x7b: {  	[sflag:s21] =	ssyncadd.s32 $0xFFFFF9C0  }
0x7c: {  	[spmem:s24@s18], [sflag:s20] =	dma.strided [hbm:s1@s19], $0x640, s17, $0x10   }
0x7d: {  	_ =	swait.ge [sflag:s21], $0x640  }
0x7e: {  	[sflag:s21] =	ssyncset.done $0x0  }
0x7f: {  	[sflag:s21] =	ssyncadd.s32 $0xFFFFF9C0  }
0x80: {  	[spmem:s25@s18], [sflag:s20] =	dma.strided [hbm:s1@s19], $0x640, s17, $0x10   }
0x81: {  	_ =	swait.ge [sflag:s21], $0x640  }
0x82: {  	[sflag:s21] =	ssyncset.done $0x0  }
0x83: {  	[sflag:s21] =	ssyncadd.s32 $0xFFFFF9C0  }
0x84: {  	[spmem:s26@s18], [sflag:s20] =	dma.strided [hbm:s1@s19], $0x640, s17, $0x10   }
0x85: {  	_ =	swait.ge [sflag:s21], $0x640  }
0x86: {  	[sflag:s21] =	ssyncset.done $0x0  }
0x87: {  	[sflag:s21] =	ssyncadd.s32 $0xFFFFF9C0  }
0x88: {  	[spmem:s28@s18], [sflag:s20] =	dma.strided [hbm:s1@s19], $0x640, s17, $0x10   }
0x89: {  	_ =	swait.ge [sflag:s21], $0x640  }
0x8a: {  	[sflag:s21] =	ssyncset.done $0x0  }
0x8b: {  	[sflag:s21] =	ssyncadd.s32 $0xFFFFF9C0  }
0x8c: {  	[spmem:s29@s18], [sflag:s20] =	dma.strided [hbm:s1@s19], $0x640, s17, $0x10   }
0x8d: {  	_ =	swait.ge [sflag:s21], $0x640  }
0x8e: {  	[sflag:s21] =	ssyncset.done $0x0  }
0x8f: {  	[sflag:s21] =	ssyncadd.s32 $0xFFFFF9C0  }
0x90: {  	[spmem:s30@s18], [sflag:s20] =	dma.strided [hbm:s1@s19], $0x640, s17, $0x10   }
0x91: {  	_ =	swait.ge [sflag:s21], $0x640  }
0x92: {  	[sflag:s21] =	ssyncset.done $0x0  }
0x93: {  	[sflag:s21] =	ssyncadd.s32 $0xFFFFF9C0  }
0x94: {  	[spmem:s31@s18], [sflag:s20] =	dma.strided [hbm:s1@s19], $0x640, s17, $0x10   }
0x95: {  	_ =	swait.ge [sflag:s21], $0x640  }
0x96: {  	[sflag:s21] =	ssyncset.done $0x0  }
0x97: {  	[sflag:s21] =	ssyncadd.s32 $0xFFFFF9C0  }
0x98: {  	[spmem:s0@s18], [sflag:s20] =	dma.strided [hbm:s1@s19], $0x640, s17, $0x10   }
0x99: {  	_ =	swait.ge [sflag:s21], $0x640  }
0x9a: {  	[sflag:s21] =	ssyncset.done $0x0  }
0x9b: {  	[sflag:s21] =	ssyncadd.s32 $0xFFFFF9C0  }
0x9c: {  	[spmem:s9@s18], [sflag:s20] =	dma.strided [hbm:s1@s19], $0x640, s17, $0x10   }
0x9d: {  	_ =	swait.ge [sflag:s21], $0x640  }
0x9e: {  	[sflag:s21] =	ssyncset.done $0x0  }
0x9f: {  	[sflag:s21] =	ssyncadd.s32 $0xFFFFF9C0  }
0xa0: {  	[spmem:s10@s18], [sflag:s20] =	dma.strided [hbm:s1@s19], $0x640, s17, $0x10   }
0xa1: {  	_ =	swait.ge [sflag:s21], $0x640  }
0xa2: {  	[sflag:s21] =	ssyncset.done $0x0  }
0xa3: {  	[sflag:s21] =	ssyncadd.s32 $0xFFFFF9C0  }
0xa4: {  	[spmem:s11@s18], [sflag:s20] =	dma.strided [hbm:s1@s19], $0x640, s17, $0x10   }
0xa5: {  	_ =	swait.ge [sflag:s21], $0x640  }
0xa6: {  	[sflag:s21] =	ssyncset.done $0x0  }
0xa7: {  	[sflag:s21] =	ssyncadd.s32 $0xFFFFF9C0  }
0xa8: {  	[spmem:s12@s18], [sflag:s20] =	dma.strided [hbm:s1@s19], $0x640, s17, $0x10   }
0xa9: {  	_ =	swait.ge [sflag:s21], $0x640  }
0xaa: {  	[sflag:s21] =	ssyncset.done $0x0  }
0xab: {  	[sflag:s21] =	ssyncadd.s32 $0xFFFFF9C0  }
0xac: {  	[spmem:s13@s18], [sflag:s20] =	dma.strided [hbm:s1@s19], $0x640, s17, $0x10   }
0xad: {  	_ =	swait.ge [sflag:s21], $0x640  }
0xae: {  	[sflag:s21] =	ssyncset.done $0x0  }
0xaf: {  	[sflag:s21] =	ssyncadd.s32 $0xFFFFF9C0  }
0xb0: {  	[spmem:s14@s18], [sflag:s20] =	dma.strided [hbm:s1@s19], $0x640, s17, $0x10   }
0xb1: {  	_ =	swait.ge [sflag:s21], $0x640  }
0xb2: {  	[sflag:s21] =	ssyncset.done $0x0  }
0xb3: {  	[sflag:s21] =	ssyncadd.s32 $0xFFFFF9C0  }
0xb4: {  	[spmem:s15@s18], [sflag:s20] =	dma.strided [hbm:s1@s19], $0x640, s17, $0x10   }
0xb5: {  	_ =	swait.ge [sflag:s21], $0x640  }
0xb6: {  	[sflag:s21] =	ssyncset.done $0x0  }
.Ltmp3:
0xb7: {  	[sflag:s21] =	ssyncadd.s32 $0xFFFFF9C0;
	(pc) =	sbr.rel .LBB2_3-.Ltmp3, $4  }
0xb8: {  	[spmem:s16@s18], [sflag:s20] =	dma.strided [hbm:s1@s19], $0x640, s17, $0x10   }
0xb9: {  	_ =	swait.ge [sflag:s21], $0x640  }
0xba: {  	[sflag:s21] =	ssyncset.done $0x0  }
0xbb: {  	[sflag:s21] =	ssyncadd.s32 $0xFFFFF9C0  }
.LBB2_4:
0xbc: {  	_ =	sfence.sel $0x180000  }
0xbd: {  	[bflag:$0x0] =	sbarrier.arrive $0xFFFF  }
0xbe: {  	_ =	strace $0x90000047  }
0xbf: {  	[bflag:$0x2] =	sbarrier.arrive $0xFFFF  }
0xc0: {  	s0 =	rddreg [dreg:$0x3]  }
0xc1: {  	s0 =	sadd.s32 @!p0 $0x100000, s0  }
0xc2: {  	[sflag:s0] =	ssyncadd.tile.s32 @!p0 $0x1;
	_ =	shalt  }
.Lfunc_end2:
_tile_overlayer_lowered:
.L_overlay_start_2:
0xc3: {  	(tag) =	ssettag $0x2  }
0xc4: {  	s0 =	rddreg [dreg:$0x0];
	s2 =	stileid.u32  }
0xc5: {  	s1 =	rddreg [dreg:$0x1];
	p0 =	sne.s32 s2, $0x0  }
0xc6: {  	s3 =	rddreg [dreg:$0x2];
	[bflag:$0x3] =	sbarrier.arrive $0xFFFF;
	s2 =	simm.s32 @!p0 $0x1C02  }
0xc7: {  	[timem:s3], [sflag:s2] =	dma.local @!p0 [hbm:s0], s1  }
0xc8: {  	s0 =	simm.s32 @!p0 $0x2  }
0xc9: {  	_ =	swait.ge @!p0 [sflag:s0], s1  }
0xca: {  	s1 =	ssub.s32 @!p0 $0x0, s1;
	[sflag:s0] =	ssyncset.done @!p0 $0x0  }
0xcb: {  	[sflag:s0] =	ssyncadd.s32 @!p0 s1  }
0xcc: {  	[bflag:$0x3] =	sbarrier.arrive $0xFFFF  }
0xcd: {  	_ =	shalt  }

</sc_bundles>
